<compile_context>
chip_gen: v7x
topology: tpu7x:2x2x1
jax: 0.10.2.dev20260603
libtpu: 0.0.44.dev20260713+nightly
codegen_flags: <defaults>
</compile_context>

<pallas_src>
import functools
import jax
import jax.numpy as jnp
from jax import lax
from jax.experimental import pallas as pl
from jax.experimental.pallas import tpu as pltpu
from jax.experimental.pallas import tpu_sc as plsc

_N = 10000
_E = 320000
_H = 128
_G = 64
_L = 3

_NC = 2
_NS = 16
_NW = _NC * _NS
_CH = 128
_NCHUNK = 80
_EW = _NCHUNK * _CH
_EP = _NW * _EW
_NA = 10240
_RPT = _NA // _NS

_BLK = 1000
_GRID = _N // _BLK

_f32 = jnp.float32
_sc_mesh = plsc.VectorSubcoreMesh(core_axis_name="c", subcore_axis_name="s")



@functools.partial(
    pl.kernel,
    out_type=jax.ShapeDtypeStruct((_NC, _NA, _H), _f32),
    mesh=_sc_mesh,
    scratch_types=[
        pltpu.VMEM((_NCHUNK, _CH), jnp.int32),
        pltpu.VMEM((_NCHUNK, _CH), jnp.int32),
        pltpu.VMEM((_CH, _H), _f32),
        pltpu.VMEM_SHARED((_NA, _H), _f32),
        pltpu.SemaphoreType.DMA,
    ],
)
def _sc_propagate(A_hbm, send_hbm, rec_hbm, z_hbm, out_hbm,
                  idx_s, idx_r, gbuf, acc, sem):
    c = lax.axis_index("c")
    sid = lax.axis_index("s")
    w = sid * _NC + c
    pltpu.sync_copy(send_hbm.at[w], idx_s)
    pltpu.sync_copy(rec_hbm.at[w], idx_r)
    pltpu.sync_copy(z_hbm, acc.at[pl.ds(sid * _RPT, _RPT)])
    plsc.subcore_barrier()

    @pl.loop(0, _NCHUNK)
    def _chunk(j):
        pltpu.async_copy(A_hbm.at[idx_s.at[j]], gbuf, sem).wait()
        pltpu.sync_copy(gbuf, acc.at[idx_r.at[j]], add=True)

    plsc.subcore_barrier()
    pltpu.sync_copy(acc.at[pl.ds(sid * _RPT, _RPT)],
                    out_hbm.at[c, pl.ds(sid * _RPT, _RPT)])


_SW = 8


@functools.partial(
    pl.kernel,
    out_type=jax.ShapeDtypeStruct((_NC, _NA, _SW), _f32),
    mesh=_sc_mesh,
    scratch_types=[
        pltpu.VMEM((_NCHUNK, _CH), jnp.int32),
        pltpu.VMEM((_CH, _SW), _f32),
        pltpu.VMEM_SHARED((_NA, _SW), _f32),
        pltpu.SemaphoreType.DMA,
    ],
)
def _sc_edge_stats(rec_hbm, ev_hbm, zs_hbm, out_hbm, idx_r, ebuf, acc, sem):
    c = lax.axis_index("c")
    sid = lax.axis_index("s")
    w = sid * _NC + c
    pltpu.sync_copy(rec_hbm.at[w], idx_r)
    pltpu.sync_copy(zs_hbm, acc.at[pl.ds(sid * _RPT, _RPT)])
    plsc.subcore_barrier()

    @pl.loop(0, _NCHUNK)
    def _chunk(j):
        pltpu.sync_copy(ev_hbm.at[w, j], ebuf)
        pltpu.sync_copy(ebuf, acc.at[idx_r.at[j]], add=True)

    plsc.subcore_barrier()
    pltpu.sync_copy(acc.at[pl.ds(sid * _RPT, _RPT)],
                    out_hbm.at[c, pl.ds(sid * _RPT, _RPT)])



def _prep_body(msgW, msgb, updW, updb, ew, eb, w2u2_o, rows_o):
    W2 = msgW[0, _H:2 * _H, :]
    W3 = msgW[0, 2 * _H:, :]
    U2 = updW[0, _H:, :]
    u = jnp.dot(ew[...], W3, preferred_element_type=_f32)
    cc = jnp.dot(eb[...], W3, preferred_element_type=_f32) + msgb[0]
    uU2 = jnp.dot(u, U2, preferred_element_type=_f32)
    cU2 = jnp.dot(cc, U2, preferred_element_type=_f32)
    w2u2_o[...] = jnp.dot(W2, U2, preferred_element_type=_f32)[None]
    rows_o[...] = jnp.concatenate(
        [uU2, cU2, updb[0], jnp.zeros((5, _H), _f32)], axis=0)[None]


def _embed_body(x, eW, eb1, W1, h_o, A_o):
    h = jnp.dot(x[...], eW[...], preferred_element_type=_f32) + eb1[...]
    h_o[...] = h
    A_o[...] = jnp.dot(h, W1[...], preferred_element_type=_f32)


def _update_body(h, P0, P1, s0, s1, U1, U2, W2U2, rows, W1n, h_o, A_o):
    hv = h[...]
    P = P0[...] + P1[...]
    st = s0[...] + s1[...]
    deg = st[:, 0:1]
    s = st[:, 1:2]
    r = rows[...]
    t = (jnp.dot(hv, U1[...], preferred_element_type=_f32)
         + jnp.dot(P, U2[...], preferred_element_type=_f32)
         + deg * jnp.dot(hv, W2U2[...], preferred_element_type=_f32)
         + s * r[0:1, :] + deg * r[1:2, :] + r[2:3, :])
    hn = hv + jnp.maximum(t, 0.0)
    h_o[...] = hn
    A_o[...] = jnp.dot(hn, W1n[...], preferred_element_type=_f32)


def _pool_body(h, bt, pp, out_o, acc):
    k = pl.program_id(0)

    @pl.when(k == 0)
    def _init():
        acc[...] = jnp.zeros((_G, _H), _f32)

    bb = bt[...]
    m = (bb == lax.broadcasted_iota(jnp.int32, (_BLK, _G), 1)).astype(_f32)
    acc[...] += lax.dot_general(m, h[...], (((0,), (0,)), ((), ())),
                                preferred_element_type=_f32)

    @pl.when(k == _GRID - 1)
    def _fin():
        a = acc[...]
        out_o[...] = (jnp.sum(a * pp[0:1, :], axis=1, keepdims=True)
                      + pp[1:2, 0:1])


def _row_spec():
    return pl.BlockSpec((_BLK, _H), lambda i: (i, 0))


def _full_spec(shape):
    nd = len(shape)
    return pl.BlockSpec(shape, lambda i, _n=nd: (0,) * _n)


_tc_prep = pl.pallas_call(
    _prep_body,
    grid=(_L,),
    in_specs=[
        pl.BlockSpec((1, 3 * _H, _H), lambda i: (i, 0, 0)),
        pl.BlockSpec((1, 1, _H), lambda i: (i, 0, 0)),
        pl.BlockSpec((1, 2 * _H, _H), lambda i: (i, 0, 0)),
        pl.BlockSpec((1, 1, _H), lambda i: (i, 0, 0)),
        _full_spec((1, _H)),
        _full_spec((1, _H)),
    ],
    out_specs=[
        pl.BlockSpec((1, _H, _H), lambda i: (i, 0, 0)),
        pl.BlockSpec((1, 8, _H), lambda i: (i, 0, 0)),
    ],
    out_shape=[
        jax.ShapeDtypeStruct((_L, _H, _H), _f32),
        jax.ShapeDtypeStruct((_L, 8, _H), _f32),
    ],
)

_tc_embed = pl.pallas_call(
    _embed_body,
    grid=(_GRID,),
    in_specs=[
        _row_spec(),
        _full_spec((_H, _H)),
        _full_spec((1, _H)),
        _full_spec((_H, _H)),
    ],
    out_specs=[_row_spec(), _row_spec()],
    out_shape=[
        jax.ShapeDtypeStruct((_N, _H), _f32),
        jax.ShapeDtypeStruct((_N, _H), _f32),
    ],
)

_tc_update = pl.pallas_call(
    _update_body,
    grid=(_GRID,),
    in_specs=[
        _row_spec(),
        _row_spec(),
        _row_spec(),
        pl.BlockSpec((_BLK, _SW), lambda i: (i, 0)),
        pl.BlockSpec((_BLK, _SW), lambda i: (i, 0)),
        _full_spec((_H, _H)),
        _full_spec((_H, _H)),
        _full_spec((_H, _H)),
        _full_spec((8, _H)),
        _full_spec((_H, _H)),
    ],
    out_specs=[_row_spec(), _row_spec()],
    out_shape=[
        jax.ShapeDtypeStruct((_N, _H), _f32),
        jax.ShapeDtypeStruct((_N, _H), _f32),
    ],
)

_tc_pool = pl.pallas_call(
    _pool_body,
    grid=(_GRID,),
    in_specs=[
        _row_spec(),
        pl.BlockSpec((_BLK, 1), lambda i: (i, 0)),
        _full_spec((8, _H)),
    ],
    out_specs=pl.BlockSpec((_G, 1), lambda i: (0, 0)),
    out_shape=jax.ShapeDtypeStruct((_G, 1), _f32),
    scratch_shapes=[pltpu.VMEM((_G, _H), _f32)],
    compiler_params=pltpu.CompilerParams(
        dimension_semantics=("arbitrary",)),
)



def kernel(x, edge_index, edge_attr, batch, embed_W, embed_b, edge_W, edge_b,
           msg_W, msg_b, upd_W, upd_b, pred_W, pred_b):
    pad = _EP - _E
    send = edge_index[0].astype(jnp.int32)
    rec = edge_index[1].astype(jnp.int32)
    spad = jnp.arange(pad, dtype=jnp.int32) % _N
    rpad = _N + jnp.arange(pad, dtype=jnp.int32) % (_NA - _N)
    send_r = jnp.concatenate([send, spad]).reshape(_NW, _NCHUNK, _CH)
    rec_r = jnp.concatenate([rec, rpad]).reshape(_NW, _NCHUNK, _CH)
    z = jnp.zeros((_RPT, _H), _f32)

    ev = jnp.zeros((_EP, _SW), _f32).at[:, 0].set(1.0) \
                                    .at[:_E, 1].set(edge_attr.astype(_f32))
    ev_r = ev.reshape(_NW, _NCHUNK, _CH, _SW)
    zs = jnp.zeros((_RPT, _SW), _f32)
    stats = _sc_edge_stats(rec_r, ev_r, zs)

    msgb3 = msg_b.reshape(_L, 1, _H)
    updb3 = upd_b.reshape(_L, 1, _H)
    eb1 = edge_b.reshape(1, _H)
    w2u2, rows = _tc_prep(msg_W, msgb3, upd_W, updb3, edge_W, eb1)

    embb = embed_b.reshape(1, _H)
    h, A = _tc_embed(x.astype(_f32), embed_W, embb, msg_W[0, :_H, :])

    for i in range(_L):
        Pp = _sc_propagate(A, send_r, rec_r, z)
        W1n = msg_W[i + 1, :_H, :] if i + 1 < _L else msg_W[0, :_H, :]
        h, A = _tc_update(h, Pp[0], Pp[1], stats[0], stats[1],
                          upd_W[i, :_H, :], upd_W[i, _H:, :],
                          w2u2[i], rows[i], W1n)

    batch2 = batch.reshape(_N, 1).astype(jnp.int32)
    ppack = jnp.zeros((8, _H), _f32).at[0, :].set(pred_W[:, 0]) \
                                    .at[1, 0].set(pred_b[0])
    out2 = _tc_pool(h, batch2, ppack)
    return out2[:, 0]

# --- scband reference (transcript-rebuilt; emitter-appended) ---
"""Pipeline reference for scband-basic-mpnn-51170240364727 (READ-ONLY COPY).

The authoritative reference and input builder live on the scoring server;
editing this copy changes nothing except your own understanding.
"""

import jax, jax.numpy as jnp
import numpy as np

N = 10000
E = 320000
F = 128
H = 128
L = 3
G = 64


def setup_inputs(seed: int = 0) -> dict:
    key = jax.random.key(seed)
    ks = jax.random.split(key, 16)
    x = jax.random.normal(ks[0], (N, F), dtype=jnp.float32)
    edge_index = jax.random.randint(ks[1], (2, E), 0, N)
    edge_attr = jax.random.normal(ks[2], (E,), dtype=jnp.float32)
    batch = jnp.sort(jax.random.randint(ks[3], (N,), 0, G))
    s = 0.05
    embed_W = jax.random.normal(ks[4], (F, H), dtype=jnp.float32) * s
    embed_b = jnp.zeros((H,), dtype=jnp.float32)
    edge_W = jax.random.normal(ks[5], (1, H), dtype=jnp.float32) * s
    edge_b = jnp.zeros((H,), dtype=jnp.float32)
    msg_W = jax.random.normal(ks[6], (L, 3 * H, H), dtype=jnp.float32) * s
    msg_b = jnp.zeros((L, H), dtype=jnp.float32)
    upd_W = jax.random.normal(ks[7], (L, 2 * H, H), dtype=jnp.float32) * s
    upd_b = jnp.zeros((L, H), dtype=jnp.float32)
    pred_W = jax.random.normal(ks[8], (H, 1), dtype=jnp.float32) * s
    pred_b = jnp.zeros((1,), dtype=jnp.float32)
    return {"x": x, "edge_index": edge_index, "edge_attr": edge_attr, "batch": batch,
            "embed_W": embed_W, "embed_b": embed_b, "edge_W": edge_W, "edge_b": edge_b,
            "msg_W": msg_W, "msg_b": msg_b, "upd_W": upd_W, "upd_b": upd_b,
            "pred_W": pred_W, "pred_b": pred_b}


def reference(x, edge_index, edge_attr, batch, embed_W, embed_b, edge_W, edge_b,
              msg_W, msg_b, upd_W, upd_b, pred_W, pred_b):
    send = edge_index[0]
    rec = edge_index[1]
    h = x.astype(jnp.float32) @ embed_W + embed_b
    ea = edge_attr[:, None].astype(jnp.float32) @ edge_W + edge_b
    for i in range(L):
        h_send = h[send]
        h_rec = h[rec]
        messages = jnp.concatenate((h_send, h_rec, ea), axis=1) @ msg_W[i] + msg_b[i]
        messages_agg = jax.ops.segment_sum(messages, rec, num_segments=N)
        out = jnp.concatenate((h, messages_agg), axis=1) @ upd_W[i] + upd_b[i]
        h = h + jax.nn.relu(out)
    h_agg = jax.ops.segment_sum(h, batch, num_segments=G)
    final_prediction = h_agg @ pred_W + pred_b
    return final_prediction.squeeze(1)

if __name__ == "__main__":
    import jax
    _d = setup_inputs()
    print(jax.jit(kernel)(*tuple(_d.values())))

</pallas_src>

<mosaic_0001>
#map = affine_map<(d0, d1) -> (0, 0)>
#map1 = affine_map<(d0, d1) -> (0, 0, 0)>
module attributes {stable_mosaic.version = 14 : i64} {
  func.func @_sc_propagate(%arg0: i32, %arg1: i32, %arg2: memref<10000x128xf32, #tpu.memory_space<hbm>>, %arg3: memref<32x80x128xi32, #tpu.memory_space<hbm>>, %arg4: memref<32x80x128xi32, #tpu.memory_space<hbm>>, %arg5: memref<640x128xf32, #tpu.memory_space<hbm>>, %arg6: memref<2x10240x128xf32, #tpu.memory_space<hbm>>, %arg7: memref<80x128xi32, #tpu.memory_space<vmem>>, %arg8: memref<80x128xi32, #tpu.memory_space<vmem>>, %arg9: memref<128x128xf32, #tpu.memory_space<vmem>>, %arg10: memref<10240x128xf32, #tpu.memory_space<vmem_shared>>, %arg11: memref<!tpu.dma_semaphore, #tpu.memory_space<semaphore_mem>>) attributes {dimension_semantics = [#tpu.dimension_semantics<core_parallel>, #tpu.dimension_semantics<subcore_parallel>], iteration_bounds = array<i64: 2, 16>, scalar_prefetch = 0 : i64, scratch_operands = 5 : i64, tpu.core_type = #tpu.core_type<sc_vector_subcore>, window_params = [{transform_indices = #map}, {transform_indices = #map1}, {transform_indices = #map1}, {transform_indices = #map}, {transform_indices = #map1}]} {
    %mul3A = arith.constant 2 : i32
    %mul3A_0 = arith.muli %arg1, %mul3A : i32
    %add3A = arith.addi %mul3A_0, %arg0 : i32
    "tpu.region"() ({
      %run_scoped3A = tpu.sem_alloc : memref<!tpu.dma_semaphore, #tpu.memory_space<semaphore_mem>>
      %dma_start3A = arith.constant 0 : i32
      %dma_start3A_12 = arith.constant 0 : i32
      %dma_start3A_13 = tpu.memref_slice %arg3[%add3A, %dma_start3A, %dma_start3A_12] : memref<32x80x128xi32, #tpu.memory_space<hbm>> -> memref<1x80x128xi32, #tpu.memory_space<hbm>>
      %dma_start3A_14 = tpu.memref_squeeze %dma_start3A_13 : memref<1x80x128xi32, #tpu.memory_space<hbm>> -> memref<80x128xi32, #tpu.memory_space<hbm>>
      %dma_start3A_15 = arith.constant 0 : i32
      %dma_start3A_16 = arith.constant 0 : i32
      %dma_start3A_17 = tpu.memref_slice %arg3[%add3A, %dma_start3A_15, %dma_start3A_16] : memref<32x80x128xi32, #tpu.memory_space<hbm>> -> memref<1x80x128xi32, #tpu.memory_space<hbm>>
      %dma_start3A_18 = tpu.memref_squeeze %dma_start3A_17 : memref<1x80x128xi32, #tpu.memory_space<hbm>> -> memref<80x128xi32, #tpu.memory_space<hbm>>
      tpu.enqueue_dma source(%dma_start3A_18 : memref<80x128xi32, #tpu.memory_space<hbm>>) target(%arg7 : memref<80x128xi32, #tpu.memory_space<vmem>>) target_semaphore(%run_scoped3A : memref<!tpu.dma_semaphore, #tpu.memory_space<semaphore_mem>>)
      %dma_wait3A = arith.constant 0 : i32
      %dma_wait3A_19 = arith.constant 0 : i32
      %dma_wait3A_20 = tpu.memref_slice %arg3[%add3A, %dma_wait3A, %dma_wait3A_19] : memref<32x80x128xi32, #tpu.memory_space<hbm>> -> memref<1x80x128xi32, #tpu.memory_space<hbm>>
      %dma_wait3A_21 = tpu.memref_squeeze %dma_wait3A_20 : memref<1x80x128xi32, #tpu.memory_space<hbm>> -> memref<80x128xi32, #tpu.memory_space<hbm>>
      %dma_wait3A_22 = arith.constant 0 : i32
      %dma_wait3A_23 = arith.constant 0 : i32
      %dma_wait3A_24 = tpu.memref_slice %arg3[%add3A, %dma_wait3A_22, %dma_wait3A_23] : memref<32x80x128xi32, #tpu.memory_space<hbm>> -> memref<1x80x128xi32, #tpu.memory_space<hbm>>
      %dma_wait3A_25 = tpu.memref_squeeze %dma_wait3A_24 : memref<1x80x128xi32, #tpu.memory_space<hbm>> -> memref<80x128xi32, #tpu.memory_space<hbm>>
      tpu.wait_dma2 semaphore(%run_scoped3A : memref<!tpu.dma_semaphore, #tpu.memory_space<semaphore_mem>>) src(%dma_wait3A_25 : memref<80x128xi32, #tpu.memory_space<hbm>>) dst(%arg7 : memref<80x128xi32, #tpu.memory_space<vmem>>)
      tpu.yield
    }) : () -> ()
    "tpu.region"() ({
      %run_scoped3A = tpu.sem_alloc : memref<!tpu.dma_semaphore, #tpu.memory_space<semaphore_mem>>
      %dma_start3A = arith.constant 0 : i32
      %dma_start3A_12 = arith.constant 0 : i32
      %dma_start3A_13 = tpu.memref_slice %arg4[%add3A, %dma_start3A, %dma_start3A_12] : memref<32x80x128xi32, #tpu.memory_space<hbm>> -> memref<1x80x128xi32, #tpu.memory_space<hbm>>
      %dma_start3A_14 = tpu.memref_squeeze %dma_start3A_13 : memref<1x80x128xi32, #tpu.memory_space<hbm>> -> memref<80x128xi32, #tpu.memory_space<hbm>>
      %dma_start3A_15 = arith.constant 0 : i32
      %dma_start3A_16 = arith.constant 0 : i32
      %dma_start3A_17 = tpu.memref_slice %arg4[%add3A, %dma_start3A_15, %dma_start3A_16] : memref<32x80x128xi32, #tpu.memory_space<hbm>> -> memref<1x80x128xi32, #tpu.memory_space<hbm>>
      %dma_start3A_18 = tpu.memref_squeeze %dma_start3A_17 : memref<1x80x128xi32, #tpu.memory_space<hbm>> -> memref<80x128xi32, #tpu.memory_space<hbm>>
      tpu.enqueue_dma source(%dma_start3A_18 : memref<80x128xi32, #tpu.memory_space<hbm>>) target(%arg8 : memref<80x128xi32, #tpu.memory_space<vmem>>) target_semaphore(%run_scoped3A : memref<!tpu.dma_semaphore, #tpu.memory_space<semaphore_mem>>)
      %dma_wait3A = arith.constant 0 : i32
      %dma_wait3A_19 = arith.constant 0 : i32
      %dma_wait3A_20 = tpu.memref_slice %arg4[%add3A, %dma_wait3A, %dma_wait3A_19] : memref<32x80x128xi32, #tpu.memory_space<hbm>> -> memref<1x80x128xi32, #tpu.memory_space<hbm>>
      %dma_wait3A_21 = tpu.memref_squeeze %dma_wait3A_20 : memref<1x80x128xi32, #tpu.memory_space<hbm>> -> memref<80x128xi32, #tpu.memory_space<hbm>>
      %dma_wait3A_22 = arith.constant 0 : i32
      %dma_wait3A_23 = arith.constant 0 : i32
      %dma_wait3A_24 = tpu.memref_slice %arg4[%add3A, %dma_wait3A_22, %dma_wait3A_23] : memref<32x80x128xi32, #tpu.memory_space<hbm>> -> memref<1x80x128xi32, #tpu.memory_space<hbm>>
      %dma_wait3A_25 = tpu.memref_squeeze %dma_wait3A_24 : memref<1x80x128xi32, #tpu.memory_space<hbm>> -> memref<80x128xi32, #tpu.memory_space<hbm>>
      tpu.wait_dma2 semaphore(%run_scoped3A : memref<!tpu.dma_semaphore, #tpu.memory_space<semaphore_mem>>) src(%dma_wait3A_25 : memref<80x128xi32, #tpu.memory_space<hbm>>) dst(%arg8 : memref<80x128xi32, #tpu.memory_space<vmem>>)
      tpu.yield
    }) : () -> ()
    %mul3A_1 = arith.constant 640 : i32
    %mul3A_2 = arith.muli %arg1, %mul3A_1 : i32
    "tpu.region"() ({
      %run_scoped3A = tpu.sem_alloc : memref<!tpu.dma_semaphore, #tpu.memory_space<semaphore_mem>>
      %dma_start3A = arith.constant 0 : i32
      %dma_start3A_12 = tpu.memref_slice %arg10[%mul3A_2, %dma_start3A] : memref<10240x128xf32, #tpu.memory_space<vmem_shared>> -> memref<640x128xf32, #tpu.memory_space<vmem_shared>>
      tpu.enqueue_dma source(%arg5 : memref<640x128xf32, #tpu.memory_space<hbm>>) target(%dma_start3A_12 : memref<640x128xf32, #tpu.memory_space<vmem_shared>>) target_semaphore(%run_scoped3A : memref<!tpu.dma_semaphore, #tpu.memory_space<semaphore_mem>>)
      %dma_wait3A = arith.constant 0 : i32
      %dma_wait3A_13 = tpu.memref_slice %arg10[%mul3A_2, %dma_wait3A] : memref<10240x128xf32, #tpu.memory_space<vmem_shared>> -> memref<640x128xf32, #tpu.memory_space<vmem_shared>>
      tpu.wait_dma2 semaphore(%run_scoped3A : memref<!tpu.dma_semaphore, #tpu.memory_space<semaphore_mem>>) src(%arg5 : memref<640x128xf32, #tpu.memory_space<hbm>>) dst(%dma_wait3A_13 : memref<640x128xf32, #tpu.memory_space<vmem_shared>>)
      tpu.yield
    }) : () -> ()
    %barrier3A = arith.constant 0 : index
    tpu.barrier barrier_id(%barrier3A)
    %scan3A = arith.constant 0 : i32
    %scan3A_3 = arith.constant 80 : i32
    %scan3A_4 = arith.addi %scan3A, %scan3A_3 : i32
    %scan3A_5 = arith.constant 1 : i32
    scf.for %scan3A_12 = %scan3A to %scan3A_4 step %scan3A_5  : i32 {
      %mul3A_13 = arith.constant 1 : i32
      %mul3A_14 = arith.muli %scan3A_12, %mul3A_13 : i32
      %add3A_15 = arith.constant 0 : i32
      %add3A_16 = arith.addi %add3A_15, %mul3A_14 : i32
      %dma_start3A = arith.constant 0 : i32
      %dma_start3A_17 = tpu.memref_slice %arg7[%add3A_16, %dma_start3A] : memref<80x128xi32, #tpu.memory_space<vmem>> -> memref<1x128xi32, #tpu.memory_space<vmem>>
      %dma_start3A_18 = tpu.memref_squeeze %dma_start3A_17 : memref<1x128xi32, #tpu.memory_space<vmem>> -> memref<128xi32, #tpu.memory_space<vmem>>
      %dma_start3A_19 = arith.constant 0 : i32
      %dma_start3A_20 = arith.constant 0 : i32
      %dma_start3A_21 = tpu.memref_slice %arg2[%dma_start3A_19, %dma_start3A_20] : memref<10000x128xf32, #tpu.memory_space<hbm>> -> memref<10000x128xf32, #tpu.memory_space<hbm>>
      tpu.enqueue_indirect_dma source(%dma_start3A_21 : memref<10000x128xf32, #tpu.memory_space<hbm>>) target(%arg9 : memref<128x128xf32, #tpu.memory_space<vmem>>) offsets(%dma_start3A_18 : memref<128xi32, #tpu.memory_space<vmem>>) semaphore(%arg11 : memref<!tpu.dma_semaphore, #tpu.memory_space<semaphore_mem>>)
      %dma_wait3A = arith.constant 0 : i32
      %dma_wait3A_22 = tpu.memref_slice %arg7[%add3A_16, %dma_wait3A] : memref<80x128xi32, #tpu.memory_space<vmem>> -> memref<1x128xi32, #tpu.memory_space<vmem>>
      %dma_wait3A_23 = tpu.memref_squeeze %dma_wait3A_22 : memref<1x128xi32, #tpu.memory_space<vmem>> -> memref<128xi32, #tpu.memory_space<vmem>>
      %dma_wait3A_24 = arith.constant 0 : i32
      %dma_wait3A_25 = arith.constant 0 : i32
      %dma_wait3A_26 = tpu.memref_slice %arg2[%dma_wait3A_24, %dma_wait3A_25] : memref<10000x128xf32, #tpu.memory_space<hbm>> -> memref<10000x128xf32, #tpu.memory_space<hbm>>
      tpu.wait_indirect_dma semaphore(%arg11 : memref<!tpu.dma_semaphore, #tpu.memory_space<semaphore_mem>>) src(%dma_wait3A_26 : memref<10000x128xf32, #tpu.memory_space<hbm>>) dst(%arg9 : memref<128x128xf32, #tpu.memory_space<vmem>>)
      "tpu.region"() ({
        %run_scoped3A = tpu.sem_alloc : memref<!tpu.dma_semaphore, #tpu.memory_space<semaphore_mem>>
        %dma_start3A_27 = arith.constant 0 : i32
        %dma_start3A_28 = tpu.memref_slice %arg8[%add3A_16, %dma_start3A_27] : memref<80x128xi32, #tpu.memory_space<vmem>> -> memref<1x128xi32, #tpu.memory_space<vmem>>
        %dma_start3A_29 = tpu.memref_squeeze %dma_start3A_28 : memref<1x128xi32, #tpu.memory_space<vmem>> -> memref<128xi32, #tpu.memory_space<vmem>>
        %dma_start3A_30 = arith.constant 0 : i32
        %dma_start3A_31 = arith.constant 0 : i32
        %dma_start3A_32 = tpu.memref_slice %arg10[%dma_start3A_30, %dma_start3A_31] : memref<10240x128xf32, #tpu.memory_space<vmem_shared>> -> memref<10240x128xf32, #tpu.memory_space<vmem_shared>>
        tpu.enqueue_indirect_dma source(%arg9 : memref<128x128xf32, #tpu.memory_space<vmem>>) target(%dma_start3A_32 : memref<10240x128xf32, #tpu.memory_space<vmem_shared>>) offsets(%dma_start3A_29 : memref<128xi32, #tpu.memory_space<vmem>>) semaphore(%run_scoped3A : memref<!tpu.dma_semaphore, #tpu.memory_space<semaphore_mem>>) {add = true}
        %dma_wait3A_33 = arith.constant 0 : i32
        %dma_wait3A_34 = tpu.memref_slice %arg8[%add3A_16, %dma_wait3A_33] : memref<80x128xi32, #tpu.memory_space<vmem>> -> memref<1x128xi32, #tpu.memory_space<vmem>>
        %dma_wait3A_35 = tpu.memref_squeeze %dma_wait3A_34 : memref<1x128xi32, #tpu.memory_space<vmem>> -> memref<128xi32, #tpu.memory_space<vmem>>
        %dma_wait3A_36 = arith.constant 0 : i32
        %dma_wait3A_37 = arith.constant 0 : i32
        %dma_wait3A_38 = tpu.memref_slice %arg10[%dma_wait3A_36, %dma_wait3A_37] : memref<10240x128xf32, #tpu.memory_space<vmem_shared>> -> memref<10240x128xf32, #tpu.memory_space<vmem_shared>>
        tpu.wait_indirect_dma semaphore(%run_scoped3A : memref<!tpu.dma_semaphore, #tpu.memory_space<semaphore_mem>>) src(%arg9 : memref<128x128xf32, #tpu.memory_space<vmem>>) dst(%dma_wait3A_38 : memref<10240x128xf32, #tpu.memory_space<vmem_shared>>)
        tpu.yield
      }) : () -> ()
    }
    %scan3A_6 = arith.constant 80 : i32
    %barrier3A_7 = arith.constant 0 : index
    tpu.barrier barrier_id(%barrier3A_7)
    %mul3A_8 = arith.constant 640 : i32
    %mul3A_9 = arith.muli %arg1, %mul3A_8 : i32
    %mul3A_10 = arith.constant 640 : i32
    %mul3A_11 = arith.muli %arg1, %mul3A_10 : i32
    "tpu.region"() ({
      %run_scoped3A = tpu.sem_alloc : memref<!tpu.dma_semaphore, #tpu.memory_space<semaphore_mem>>
      %dma_start3A = arith.constant 0 : i32
      %dma_start3A_12 = tpu.memref_slice %arg6[%arg0, %mul3A_11, %dma_start3A] : memref<2x10240x128xf32, #tpu.memory_space<hbm>> -> memref<1x640x128xf32, #tpu.memory_space<hbm>>
      %dma_start3A_13 = tpu.memref_squeeze %dma_start3A_12 : memref<1x640x128xf32, #tpu.memory_space<hbm>> -> memref<640x128xf32, #tpu.memory_space<hbm>>
      %dma_start3A_14 = arith.constant 0 : i32
      %dma_start3A_15 = tpu.memref_slice %arg10[%mul3A_9, %dma_start3A_14] : memref<10240x128xf32, #tpu.memory_space<vmem_shared>> -> memref<640x128xf32, #tpu.memory_space<vmem_shared>>
      tpu.enqueue_dma source(%dma_start3A_15 : memref<640x128xf32, #tpu.memory_space<vmem_shared>>) target(%dma_start3A_13 : memref<640x128xf32, #tpu.memory_space<hbm>>) target_semaphore(%run_scoped3A : memref<!tpu.dma_semaphore, #tpu.memory_space<semaphore_mem>>)
      %dma_wait3A = arith.constant 0 : i32
      %dma_wait3A_16 = tpu.memref_slice %arg6[%arg0, %mul3A_11, %dma_wait3A] : memref<2x10240x128xf32, #tpu.memory_space<hbm>> -> memref<1x640x128xf32, #tpu.memory_space<hbm>>
      %dma_wait3A_17 = tpu.memref_squeeze %dma_wait3A_16 : memref<1x640x128xf32, #tpu.memory_space<hbm>> -> memref<640x128xf32, #tpu.memory_space<hbm>>
      %dma_wait3A_18 = arith.constant 0 : i32
      %dma_wait3A_19 = tpu.memref_slice %arg10[%mul3A_9, %dma_wait3A_18] : memref<10240x128xf32, #tpu.memory_space<vmem_shared>> -> memref<640x128xf32, #tpu.memory_space<vmem_shared>>
      tpu.wait_dma2 semaphore(%run_scoped3A : memref<!tpu.dma_semaphore, #tpu.memory_space<semaphore_mem>>) src(%dma_wait3A_19 : memref<640x128xf32, #tpu.memory_space<vmem_shared>>) dst(%dma_wait3A_17 : memref<640x128xf32, #tpu.memory_space<hbm>>)
      tpu.yield
    }) : () -> ()
    return
  }
}

#map = affine_map<(d0, d1) -> (0, 0)>
#map1 = affine_map<(d0, d1) -> (0, 0, 0)>
module attributes {stable_mosaic.version = 14 : i64} {
  func.func @_sc_propagate(%arg0: i32, %arg1: i32, %arg2: memref<10000x128xf32, #tpu.memory_space<hbm>>, %arg3: memref<32x80x128xi32, #tpu.memory_space<hbm>>, %arg4: memref<32x80x128xi32, #tpu.memory_space<hbm>>, %arg5: memref<640x128xf32, #tpu.memory_space<hbm>>, %arg6: memref<2x10240x128xf32, #tpu.memory_space<hbm>>, %arg7: memref<80x128xi32, #tpu.memory_space<vmem>>, %arg8: memref<80x128xi32, #tpu.memory_space<vmem>>, %arg9: memref<128x128xf32, #tpu.memory_space<vmem>>, %arg10: memref<10240x128xf32, #tpu.memory_space<vmem_shared>>, %arg11: memref<!tpu.dma_semaphore, #tpu.memory_space<semaphore_mem>>) attributes {dimension_semantics = [#tpu.dimension_semantics<core_parallel>, #tpu.dimension_semantics<subcore_parallel>], iteration_bounds = array<i64: 2, 16>, scalar_prefetch = 0 : i64, scratch_operands = 5 : i64, tpu.core_type = #tpu.core_type<sc_vector_subcore>, window_params = [{transform_indices = #map}, {transform_indices = #map1}, {transform_indices = #map1}, {transform_indices = #map}, {transform_indices = #map1}]} {
    %mul3A = arith.constant 2 : i32
    %mul3A_0 = arith.muli %arg1, %mul3A : i32
    %add3A = arith.addi %mul3A_0, %arg0 : i32
    "tpu.region"() ({
      %run_scoped3A = tpu.sem_alloc : memref<!tpu.dma_semaphore, #tpu.memory_space<semaphore_mem>>
      %dma_start3A = arith.constant 0 : i32
      %dma_start3A_12 = arith.constant 0 : i32
      %dma_start3A_13 = tpu.memref_slice %arg3[%add3A, %dma_start3A, %dma_start3A_12] : memref<32x80x128xi32, #tpu.memory_space<hbm>> -> memref<1x80x128xi32, #tpu.memory_space<hbm>>
      %dma_start3A_14 = tpu.memref_squeeze %dma_start3A_13 : memref<1x80x128xi32, #tpu.memory_space<hbm>> -> memref<80x128xi32, #tpu.memory_space<hbm>>
      %dma_start3A_15 = arith.constant 0 : i32
      %dma_start3A_16 = arith.constant 0 : i32
      %dma_start3A_17 = tpu.memref_slice %arg3[%add3A, %dma_start3A_15, %dma_start3A_16] : memref<32x80x128xi32, #tpu.memory_space<hbm>> -> memref<1x80x128xi32, #tpu.memory_space<hbm>>
      %dma_start3A_18 = tpu.memref_squeeze %dma_start3A_17 : memref<1x80x128xi32, #tpu.memory_space<hbm>> -> memref<80x128xi32, #tpu.memory_space<hbm>>
      tpu.enqueue_dma source(%dma_start3A_18 : memref<80x128xi32, #tpu.memory_space<hbm>>) target(%arg7 : memref<80x128xi32, #tpu.memory_space<vmem>>) target_semaphore(%run_scoped3A : memref<!tpu.dma_semaphore, #tpu.memory_space<semaphore_mem>>)
      %dma_wait3A = arith.constant 0 : i32
      %dma_wait3A_19 = arith.constant 0 : i32
      %dma_wait3A_20 = tpu.memref_slice %arg3[%add3A, %dma_wait3A, %dma_wait3A_19] : memref<32x80x128xi32, #tpu.memory_space<hbm>> -> memref<1x80x128xi32, #tpu.memory_space<hbm>>
      %dma_wait3A_21 = tpu.memref_squeeze %dma_wait3A_20 : memref<1x80x128xi32, #tpu.memory_space<hbm>> -> memref<80x128xi32, #tpu.memory_space<hbm>>
      %dma_wait3A_22 = arith.constant 0 : i32
      %dma_wait3A_23 = arith.constant 0 : i32
      %dma_wait3A_24 = tpu.memref_slice %arg3[%add3A, %dma_wait3A_22, %dma_wait3A_23] : memref<32x80x128xi32, #tpu.memory_space<hbm>> -> memref<1x80x128xi32, #tpu.memory_space<hbm>>
      %dma_wait3A_25 = tpu.memref_squeeze %dma_wait3A_24 : memref<1x80x128xi32, #tpu.memory_space<hbm>> -> memref<80x128xi32, #tpu.memory_space<hbm>>
      tpu.wait_dma2 semaphore(%run_scoped3A : memref<!tpu.dma_semaphore, #tpu.memory_space<semaphore_mem>>) src(%dma_wait3A_25 : memref<80x128xi32, #tpu.memory_space<hbm>>) dst(%arg7 : memref<80x128xi32, #tpu.memory_space<vmem>>)
      tpu.yield
    }) : () -> ()
    "tpu.region"() ({
      %run_scoped3A = tpu.sem_alloc : memref<!tpu.dma_semaphore, #tpu.memory_space<semaphore_mem>>
      %dma_start3A = arith.constant 0 : i32
      %dma_start3A_12 = arith.constant 0 : i32
      %dma_start3A_13 = tpu.memref_slice %arg4[%add3A, %dma_start3A, %dma_start3A_12] : memref<32x80x128xi32, #tpu.memory_space<hbm>> -> memref<1x80x128xi32, #tpu.memory_space<hbm>>
      %dma_start3A_14 = tpu.memref_squeeze %dma_start3A_13 : memref<1x80x128xi32, #tpu.memory_space<hbm>> -> memref<80x128xi32, #tpu.memory_space<hbm>>
      %dma_start3A_15 = arith.constant 0 : i32
      %dma_start3A_16 = arith.constant 0 : i32
      %dma_start3A_17 = tpu.memref_slice %arg4[%add3A, %dma_start3A_15, %dma_start3A_16] : memref<32x80x128xi32, #tpu.memory_space<hbm>> -> memref<1x80x128xi32, #tpu.memory_space<hbm>>
      %dma_start3A_18 = tpu.memref_squeeze %dma_start3A_17 : memref<1x80x128xi32, #tpu.memory_space<hbm>> -> memref<80x128xi32, #tpu.memory_space<hbm>>
      tpu.enqueue_dma source(%dma_start3A_18 : memref<80x128xi32, #tpu.memory_space<hbm>>) target(%arg8 : memref<80x128xi32, #tpu.memory_space<vmem>>) target_semaphore(%run_scoped3A : memref<!tpu.dma_semaphore, #tpu.memory_space<semaphore_mem>>)
      %dma_wait3A = arith.constant 0 : i32
      %dma_wait3A_19 = arith.constant 0 : i32
      %dma_wait3A_20 = tpu.memref_slice %arg4[%add3A, %dma_wait3A, %dma_wait3A_19] : memref<32x80x128xi32, #tpu.memory_space<hbm>> -> memref<1x80x128xi32, #tpu.memory_space<hbm>>
      %dma_wait3A_21 = tpu.memref_squeeze %dma_wait3A_20 : memref<1x80x128xi32, #tpu.memory_space<hbm>> -> memref<80x128xi32, #tpu.memory_space<hbm>>
      %dma_wait3A_22 = arith.constant 0 : i32
      %dma_wait3A_23 = arith.constant 0 : i32
      %dma_wait3A_24 = tpu.memref_slice %arg4[%add3A, %dma_wait3A_22, %dma_wait3A_23] : memref<32x80x128xi32, #tpu.memory_space<hbm>> -> memref<1x80x128xi32, #tpu.memory_space<hbm>>
      %dma_wait3A_25 = tpu.memref_squeeze %dma_wait3A_24 : memref<1x80x128xi32, #tpu.memory_space<hbm>> -> memref<80x128xi32, #tpu.memory_space<hbm>>
      tpu.wait_dma2 semaphore(%run_scoped3A : memref<!tpu.dma_semaphore, #tpu.memory_space<semaphore_mem>>) src(%dma_wait3A_25 : memref<80x128xi32, #tpu.memory_space<hbm>>) dst(%arg8 : memref<80x128xi32, #tpu.memory_space<vmem>>)
      tpu.yield
    }) : () -> ()
    %mul3A_1 = arith.constant 640 : i32
    %mul3A_2 = arith.muli %arg1, %mul3A_1 : i32
    "tpu.region"() ({
      %run_scoped3A = tpu.sem_alloc : memref<!tpu.dma_semaphore, #tpu.memory_space<semaphore_mem>>
      %dma_start3A = arith.constant 0 : i32
      %dma_start3A_12 = tpu.memref_slice %arg10[%mul3A_2, %dma_start3A] : memref<10240x128xf32, #tpu.memory_space<vmem_shared>> -> memref<640x128xf32, #tpu.memory_space<vmem_shared>>
      tpu.enqueue_dma source(%arg5 : memref<640x128xf32, #tpu.memory_space<hbm>>) target(%dma_start3A_12 : memref<640x128xf32, #tpu.memory_space<vmem_shared>>) target_semaphore(%run_scoped3A : memref<!tpu.dma_semaphore, #tpu.memory_space<semaphore_mem>>)
      %dma_wait3A = arith.constant 0 : i32
      %dma_wait3A_13 = tpu.memref_slice %arg10[%mul3A_2, %dma_wait3A] : memref<10240x128xf32, #tpu.memory_space<vmem_shared>> -> memref<640x128xf32, #tpu.memory_space<vmem_shared>>
      tpu.wait_dma2 semaphore(%run_scoped3A : memref<!tpu.dma_semaphore, #tpu.memory_space<semaphore_mem>>) src(%arg5 : memref<640x128xf32, #tpu.memory_space<hbm>>) dst(%dma_wait3A_13 : memref<640x128xf32, #tpu.memory_space<vmem_shared>>)
      tpu.yield
    }) : () -> ()
    %barrier3A = arith.constant 0 : index
    tpu.barrier barrier_id(%barrier3A)
    %scan3A = arith.constant 0 : i32
    %scan3A_3 = arith.constant 80 : i32
    %scan3A_4 = arith.addi %scan3A, %scan3A_3 : i32
    %scan3A_5 = arith.constant 1 : i32
    scf.for %scan3A_12 = %scan3A to %scan3A_4 step %scan3A_5  : i32 {
      %mul3A_13 = arith.constant 1 : i32
      %mul3A_14 = arith.muli %scan3A_12, %mul3A_13 : i32
      %add3A_15 = arith.constant 0 : i32
      %add3A_16 = arith.addi %add3A_15, %mul3A_14 : i32
      %dma_start3A = arith.constant 0 : i32
      %dma_start3A_17 = tpu.memref_slice %arg7[%add3A_16, %dma_start3A] : memref<80x128xi32, #tpu.memory_space<vmem>> -> memref<1x128xi32, #tpu.memory_space<vmem>>
      %dma_start3A_18 = tpu.memref_squeeze %dma_start3A_17 : memref<1x128xi32, #tpu.memory_space<vmem>> -> memref<128xi32, #tpu.memory_space<vmem>>
      %dma_start3A_19 = arith.constant 0 : i32
      %dma_start3A_20 = arith.constant 0 : i32
      %dma_start3A_21 = tpu.memref_slice %arg2[%dma_start3A_19, %dma_start3A_20] : memref<10000x128xf32, #tpu.memory_space<hbm>> -> memref<10000x128xf32, #tpu.memory_space<hbm>>
      tpu.enqueue_indirect_dma source(%dma_start3A_21 : memref<10000x128xf32, #tpu.memory_space<hbm>>) target(%arg9 : memref<128x128xf32, #tpu.memory_space<vmem>>) offsets(%dma_start3A_18 : memref<128xi32, #tpu.memory_space<vmem>>) semaphore(%arg11 : memref<!tpu.dma_semaphore, #tpu.memory_space<semaphore_mem>>)
      %dma_wait3A = arith.constant 0 : i32
      %dma_wait3A_22 = tpu.memref_slice %arg7[%add3A_16, %dma_wait3A] : memref<80x128xi32, #tpu.memory_space<vmem>> -> memref<1x128xi32, #tpu.memory_space<vmem>>
      %dma_wait3A_23 = tpu.memref_squeeze %dma_wait3A_22 : memref<1x128xi32, #tpu.memory_space<vmem>> -> memref<128xi32, #tpu.memory_space<vmem>>
      %dma_wait3A_24 = arith.constant 0 : i32
      %dma_wait3A_25 = arith.constant 0 : i32
      %dma_wait3A_26 = tpu.memref_slice %arg2[%dma_wait3A_24, %dma_wait3A_25] : memref<10000x128xf32, #tpu.memory_space<hbm>> -> memref<10000x128xf32, #tpu.memory_space<hbm>>
      tpu.wait_indirect_dma semaphore(%arg11 : memref<!tpu.dma_semaphore, #tpu.memory_space<semaphore_mem>>) src(%dma_wait3A_26 : memref<10000x128xf32, #tpu.memory_space<hbm>>) dst(%arg9 : memref<128x128xf32, #tpu.memory_space<vmem>>)
      "tpu.region"() ({
        %run_scoped3A = tpu.sem_alloc : memref<!tpu.dma_semaphore, #tpu.memory_space<semaphore_mem>>
        %dma_start3A_27 = arith.constant 0 : i32
        %dma_start3A_28 = tpu.memref_slice %arg8[%add3A_16, %dma_start3A_27] : memref<80x128xi32, #tpu.memory_space<vmem>> -> memref<1x128xi32, #tpu.memory_space<vmem>>
        %dma_start3A_29 = tpu.memref_squeeze %dma_start3A_28 : memref<1x128xi32, #tpu.memory_space<vmem>> -> memref<128xi32, #tpu.memory_space<vmem>>
        %dma_start3A_30 = arith.constant 0 : i32
        %dma_start3A_31 = arith.constant 0 : i32
        %dma_start3A_32 = tpu.memref_slice %arg10[%dma_start3A_30, %dma_start3A_31] : memref<10240x128xf32, #tpu.memory_space<vmem_shared>> -> memref<10240x128xf32, #tpu.memory_space<vmem_shared>>
        tpu.enqueue_indirect_dma source(%arg9 : memref<128x128xf32, #tpu.memory_space<vmem>>) target(%dma_start3A_32 : memref<10240x128xf32, #tpu.memory_space<vmem_shared>>) offsets(%dma_start3A_29 : memref<128xi32, #tpu.memory_space<vmem>>) semaphore(%run_scoped3A : memref<!tpu.dma_semaphore, #tpu.memory_space<semaphore_mem>>) {add = true}
        %dma_wait3A_33 = arith.constant 0 : i32
        %dma_wait3A_34 = tpu.memref_slice %arg8[%add3A_16, %dma_wait3A_33] : memref<80x128xi32, #tpu.memory_space<vmem>> -> memref<1x128xi32, #tpu.memory_space<vmem>>
        %dma_wait3A_35 = tpu.memref_squeeze %dma_wait3A_34 : memref<1x128xi32, #tpu.memory_space<vmem>> -> memref<128xi32, #tpu.memory_space<vmem>>
        %dma_wait3A_36 = arith.constant 0 : i32
        %dma_wait3A_37 = arith.constant 0 : i32
        %dma_wait3A_38 = tpu.memref_slice %arg10[%dma_wait3A_36, %dma_wait3A_37] : memref<10240x128xf32, #tpu.memory_space<vmem_shared>> -> memref<10240x128xf32, #tpu.memory_space<vmem_shared>>
        tpu.wait_indirect_dma semaphore(%run_scoped3A : memref<!tpu.dma_semaphore, #tpu.memory_space<semaphore_mem>>) src(%arg9 : memref<128x128xf32, #tpu.memory_space<vmem>>) dst(%dma_wait3A_38 : memref<10240x128xf32, #tpu.memory_space<vmem_shared>>)
        tpu.yield
      }) : () -> ()
    }
    %scan3A_6 = arith.constant 80 : i32
    %barrier3A_7 = arith.constant 0 : index
    tpu.barrier barrier_id(%barrier3A_7)
    %mul3A_8 = arith.constant 640 : i32
    %mul3A_9 = arith.muli %arg1, %mul3A_8 : i32
    %mul3A_10 = arith.constant 640 : i32
    %mul3A_11 = arith.muli %arg1, %mul3A_10 : i32
    "tpu.region"() ({
      %run_scoped3A = tpu.sem_alloc : memref<!tpu.dma_semaphore, #tpu.memory_space<semaphore_mem>>
      %dma_start3A = arith.constant 0 : i32
      %dma_start3A_12 = tpu.memref_slice %arg6[%arg0, %mul3A_11, %dma_start3A] : memref<2x10240x128xf32, #tpu.memory_space<hbm>> -> memref<1x640x128xf32, #tpu.memory_space<hbm>>
      %dma_start3A_13 = tpu.memref_squeeze %dma_start3A_12 : memref<1x640x128xf32, #tpu.memory_space<hbm>> -> memref<640x128xf32, #tpu.memory_space<hbm>>
      %dma_start3A_14 = arith.constant 0 : i32
      %dma_start3A_15 = tpu.memref_slice %arg10[%mul3A_9, %dma_start3A_14] : memref<10240x128xf32, #tpu.memory_space<vmem_shared>> -> memref<640x128xf32, #tpu.memory_space<vmem_shared>>
      tpu.enqueue_dma source(%dma_start3A_15 : memref<640x128xf32, #tpu.memory_space<vmem_shared>>) target(%dma_start3A_13 : memref<640x128xf32, #tpu.memory_space<hbm>>) target_semaphore(%run_scoped3A : memref<!tpu.dma_semaphore, #tpu.memory_space<semaphore_mem>>)
      %dma_wait3A = arith.constant 0 : i32
      %dma_wait3A_16 = tpu.memref_slice %arg6[%arg0, %mul3A_11, %dma_wait3A] : memref<2x10240x128xf32, #tpu.memory_space<hbm>> -> memref<1x640x128xf32, #tpu.memory_space<hbm>>
      %dma_wait3A_17 = tpu.memref_squeeze %dma_wait3A_16 : memref<1x640x128xf32, #tpu.memory_space<hbm>> -> memref<640x128xf32, #tpu.memory_space<hbm>>
      %dma_wait3A_18 = arith.constant 0 : i32
      %dma_wait3A_19 = tpu.memref_slice %arg10[%mul3A_9, %dma_wait3A_18] : memref<10240x128xf32, #tpu.memory_space<vmem_shared>> -> memref<640x128xf32, #tpu.memory_space<vmem_shared>>
      tpu.wait_dma2 semaphore(%run_scoped3A : memref<!tpu.dma_semaphore, #tpu.memory_space<semaphore_mem>>) src(%dma_wait3A_19 : memref<640x128xf32, #tpu.memory_space<vmem_shared>>) dst(%dma_wait3A_17 : memref<640x128xf32, #tpu.memory_space<hbm>>)
      tpu.yield
    }) : () -> ()
    return
  }
}

#map = affine_map<(d0, d1) -> (0, 0, 0)>
#map1 = affine_map<(d0, d1) -> (0, 0, 0, 0)>
#map2 = affine_map<(d0, d1) -> (0, 0)>
module attributes {stable_mosaic.version = 14 : i64} {
  func.func @_sc_edge_stats(%arg0: i32, %arg1: i32, %arg2: memref<32x80x128xi32, #tpu.memory_space<hbm>>, %arg3: memref<32x80x128x8xf32, #tpu.memory_space<hbm>>, %arg4: memref<640x8xf32, #tpu.memory_space<hbm>>, %arg5: memref<2x10240x8xf32, #tpu.memory_space<hbm>>, %arg6: memref<80x128xi32, #tpu.memory_space<vmem>>, %arg7: memref<128x8xf32, #tpu.memory_space<vmem>>, %arg8: memref<10240x8xf32, #tpu.memory_space<vmem_shared>>, %arg9: memref<!tpu.dma_semaphore, #tpu.memory_space<semaphore_mem>>) attributes {dimension_semantics = [#tpu.dimension_semantics<core_parallel>, #tpu.dimension_semantics<subcore_parallel>], iteration_bounds = array<i64: 2, 16>, scalar_prefetch = 0 : i64, scratch_operands = 4 : i64, tpu.core_type = #tpu.core_type<sc_vector_subcore>, window_params = [{transform_indices = #map}, {transform_indices = #map1}, {transform_indices = #map2}, {transform_indices = #map}]} {
    %mul3A = arith.constant 2 : i32
    %mul3A_0 = arith.muli %arg1, %mul3A : i32
    %add3A = arith.addi %mul3A_0, %arg0 : i32
    "tpu.region"() ({
      %run_scoped3A = tpu.sem_alloc : memref<!tpu.dma_semaphore, #tpu.memory_space<semaphore_mem>>
      %dma_start3A = arith.constant 0 : i32
      %dma_start3A_12 = arith.constant 0 : i32
      %dma_start3A_13 = tpu.memref_slice %arg2[%add3A, %dma_start3A, %dma_start3A_12] : memref<32x80x128xi32, #tpu.memory_space<hbm>> -> memref<1x80x128xi32, #tpu.memory_space<hbm>>
      %dma_start3A_14 = tpu.memref_squeeze %dma_start3A_13 : memref<1x80x128xi32, #tpu.memory_space<hbm>> -> memref<80x128xi32, #tpu.memory_space<hbm>>
      %dma_start3A_15 = arith.constant 0 : i32
      %dma_start3A_16 = arith.constant 0 : i32
      %dma_start3A_17 = tpu.memref_slice %arg2[%add3A, %dma_start3A_15, %dma_start3A_16] : memref<32x80x128xi32, #tpu.memory_space<hbm>> -> memref<1x80x128xi32, #tpu.memory_space<hbm>>
      %dma_start3A_18 = tpu.memref_squeeze %dma_start3A_17 : memref<1x80x128xi32, #tpu.memory_space<hbm>> -> memref<80x128xi32, #tpu.memory_space<hbm>>
      tpu.enqueue_dma source(%dma_start3A_18 : memref<80x128xi32, #tpu.memory_space<hbm>>) target(%arg6 : memref<80x128xi32, #tpu.memory_space<vmem>>) target_semaphore(%run_scoped3A : memref<!tpu.dma_semaphore, #tpu.memory_space<semaphore_mem>>)
      %dma_wait3A = arith.constant 0 : i32
      %dma_wait3A_19 = arith.constant 0 : i32
      %dma_wait3A_20 = tpu.memref_slice %arg2[%add3A, %dma_wait3A, %dma_wait3A_19] : memref<32x80x128xi32, #tpu.memory_space<hbm>> -> memref<1x80x128xi32, #tpu.memory_space<hbm>>
      %dma_wait3A_21 = tpu.memref_squeeze %dma_wait3A_20 : memref<1x80x128xi32, #tpu.memory_space<hbm>> -> memref<80x128xi32, #tpu.memory_space<hbm>>
      %dma_wait3A_22 = arith.constant 0 : i32
      %dma_wait3A_23 = arith.constant 0 : i32
      %dma_wait3A_24 = tpu.memref_slice %arg2[%add3A, %dma_wait3A_22, %dma_wait3A_23] : memref<32x80x128xi32, #tpu.memory_space<hbm>> -> memref<1x80x128xi32, #tpu.memory_space<hbm>>
      %dma_wait3A_25 = tpu.memref_squeeze %dma_wait3A_24 : memref<1x80x128xi32, #tpu.memory_space<hbm>> -> memref<80x128xi32, #tpu.memory_space<hbm>>
      tpu.wait_dma2 semaphore(%run_scoped3A : memref<!tpu.dma_semaphore, #tpu.memory_space<semaphore_mem>>) src(%dma_wait3A_25 : memref<80x128xi32, #tpu.memory_space<hbm>>) dst(%arg6 : memref<80x128xi32, #tpu.memory_space<vmem>>)
      tpu.yield
    }) : () -> ()
    %mul3A_1 = arith.constant 640 : i32
    %mul3A_2 = arith.muli %arg1, %mul3A_1 : i32
    "tpu.region"() ({
      %run_scoped3A = tpu.sem_alloc : memref<!tpu.dma_semaphore, #tpu.memory_space<semaphore_mem>>
      %dma_start3A = arith.constant 0 : i32
      %dma_start3A_12 = tpu.memref_slice %arg8[%mul3A_2, %dma_start3A] : memref<10240x8xf32, #tpu.memory_space<vmem_shared>> -> memref<640x8xf32, #tpu.memory_space<vmem_shared>>
      tpu.enqueue_dma source(%arg4 : memref<640x8xf32, #tpu.memory_space<hbm>>) target(%dma_start3A_12 : memref<640x8xf32, #tpu.memory_space<vmem_shared>>) target_semaphore(%run_scoped3A : memref<!tpu.dma_semaphore, #tpu.memory_space<semaphore_mem>>)
      %dma_wait3A = arith.constant 0 : i32
      %dma_wait3A_13 = tpu.memref_slice %arg8[%mul3A_2, %dma_wait3A] : memref<10240x8xf32, #tpu.memory_space<vmem_shared>> -> memref<640x8xf32, #tpu.memory_space<vmem_shared>>
      tpu.wait_dma2 semaphore(%run_scoped3A : memref<!tpu.dma_semaphore, #tpu.memory_space<semaphore_mem>>) src(%arg4 : memref<640x8xf32, #tpu.memory_space<hbm>>) dst(%dma_wait3A_13 : memref<640x8xf32, #tpu.memory_space<vmem_shared>>)
      tpu.yield
    }) : () -> ()
    %barrier3A = arith.constant 0 : index
    tpu.barrier barrier_id(%barrier3A)
    %scan3A = arith.constant 0 : i32
    %scan3A_3 = arith.constant 80 : i32
    %scan3A_4 = arith.addi %scan3A, %scan3A_3 : i32
    %scan3A_5 = arith.constant 1 : i32
    scf.for %scan3A_12 = %scan3A to %scan3A_4 step %scan3A_5  : i32 {
      %mul3A_13 = arith.constant 1 : i32
      %mul3A_14 = arith.muli %scan3A_12, %mul3A_13 : i32
      %add3A_15 = arith.constant 0 : i32
      %add3A_16 = arith.addi %add3A_15, %mul3A_14 : i32
      "tpu.region"() ({
        %run_scoped3A = tpu.sem_alloc : memref<!tpu.dma_semaphore, #tpu.memory_space<semaphore_mem>>
        %dma_start3A = arith.constant 0 : i32
        %dma_start3A_17 = arith.constant 0 : i32
        %dma_start3A_18 = tpu.memref_slice %arg3[%add3A, %add3A_16, %dma_start3A, %dma_start3A_17] : memref<32x80x128x8xf32, #tpu.memory_space<hbm>> -> memref<1x1x128x8xf32, #tpu.memory_space<hbm>>
        %dma_start3A_19 = tpu.memref_squeeze %dma_start3A_18 : memref<1x1x128x8xf32, #tpu.memory_space<hbm>> -> memref<128x8xf32, #tpu.memory_space<hbm>>
        %dma_start3A_20 = arith.constant 0 : i32
        %dma_start3A_21 = arith.constant 0 : i32
        %dma_start3A_22 = tpu.memref_slice %arg3[%add3A, %add3A_16, %dma_start3A_20, %dma_start3A_21] : memref<32x80x128x8xf32, #tpu.memory_space<hbm>> -> memref<1x1x128x8xf32, #tpu.memory_space<hbm>>
        %dma_start3A_23 = tpu.memref_squeeze %dma_start3A_22 : memref<1x1x128x8xf32, #tpu.memory_space<hbm>> -> memref<128x8xf32, #tpu.memory_space<hbm>>
        tpu.enqueue_dma source(%dma_start3A_23 : memref<128x8xf32, #tpu.memory_space<hbm>>) target(%arg7 : memref<128x8xf32, #tpu.memory_space<vmem>>) target_semaphore(%run_scoped3A : memref<!tpu.dma_semaphore, #tpu.memory_space<semaphore_mem>>)
        %dma_wait3A = arith.constant 0 : i32
        %dma_wait3A_24 = arith.constant 0 : i32
        %dma_wait3A_25 = tpu.memref_slice %arg3[%add3A, %add3A_16, %dma_wait3A, %dma_wait3A_24] : memref<32x80x128x8xf32, #tpu.memory_space<hbm>> -> memref<1x1x128x8xf32, #tpu.memory_space<hbm>>
        %dma_wait3A_26 = tpu.memref_squeeze %dma_wait3A_25 : memref<1x1x128x8xf32, #tpu.memory_space<hbm>> -> memref<128x8xf32, #tpu.memory_space<hbm>>
        %dma_wait3A_27 = arith.constant 0 : i32
        %dma_wait3A_28 = arith.constant 0 : i32
        %dma_wait3A_29 = tpu.memref_slice %arg3[%add3A, %add3A_16, %dma_wait3A_27, %dma_wait3A_28] : memref<32x80x128x8xf32, #tpu.memory_space<hbm>> -> memref<1x1x128x8xf32, #tpu.memory_space<hbm>>
        %dma_wait3A_30 = tpu.memref_squeeze %dma_wait3A_29 : memref<1x1x128x8xf32, #tpu.memory_space<hbm>> -> memref<128x8xf32, #tpu.memory_space<hbm>>
        tpu.wait_dma2 semaphore(%run_scoped3A : memref<!tpu.dma_semaphore, #tpu.memory_space<semaphore_mem>>) src(%dma_wait3A_30 : memref<128x8xf32, #tpu.memory_space<hbm>>) dst(%arg7 : memref<128x8xf32, #tpu.memory_space<vmem>>)
        tpu.yield
      }) : () -> ()
      "tpu.region"() ({
        %run_scoped3A = tpu.sem_alloc : memref<!tpu.dma_semaphore, #tpu.memory_space<semaphore_mem>>
        %dma_start3A = arith.constant 0 : i32
        %dma_start3A_17 = tpu.memref_slice %arg6[%add3A_16, %dma_start3A] : memref<80x128xi32, #tpu.memory_space<vmem>> -> memref<1x128xi32, #tpu.memory_space<vmem>>
        %dma_start3A_18 = tpu.memref_squeeze %dma_start3A_17 : memref<1x128xi32, #tpu.memory_space<vmem>> -> memref<128xi32, #tpu.memory_space<vmem>>
        %dma_start3A_19 = arith.constant 0 : i32
        %dma_start3A_20 = arith.constant 0 : i32
        %dma_start3A_21 = tpu.memref_slice %arg8[%dma_start3A_19, %dma_start3A_20] : memref<10240x8xf32, #tpu.memory_space<vmem_shared>> -> memref<10240x8xf32, #tpu.memory_space<vmem_shared>>
        tpu.enqueue_indirect_dma source(%arg7 : memref<128x8xf32, #tpu.memory_space<vmem>>) target(%dma_start3A_21 : memref<10240x8xf32, #tpu.memory_space<vmem_shared>>) offsets(%dma_start3A_18 : memref<128xi32, #tpu.memory_space<vmem>>) semaphore(%run_scoped3A : memref<!tpu.dma_semaphore, #tpu.memory_space<semaphore_mem>>) {add = true}
        %dma_wait3A = arith.constant 0 : i32
        %dma_wait3A_22 = tpu.memref_slice %arg6[%add3A_16, %dma_wait3A] : memref<80x128xi32, #tpu.memory_space<vmem>> -> memref<1x128xi32, #tpu.memory_space<vmem>>
        %dma_wait3A_23 = tpu.memref_squeeze %dma_wait3A_22 : memref<1x128xi32, #tpu.memory_space<vmem>> -> memref<128xi32, #tpu.memory_space<vmem>>
        %dma_wait3A_24 = arith.constant 0 : i32
        %dma_wait3A_25 = arith.constant 0 : i32
        %dma_wait3A_26 = tpu.memref_slice %arg8[%dma_wait3A_24, %dma_wait3A_25] : memref<10240x8xf32, #tpu.memory_space<vmem_shared>> -> memref<10240x8xf32, #tpu.memory_space<vmem_shared>>
        tpu.wait_indirect_dma semaphore(%run_scoped3A : memref<!tpu.dma_semaphore, #tpu.memory_space<semaphore_mem>>) src(%arg7 : memref<128x8xf32, #tpu.memory_space<vmem>>) dst(%dma_wait3A_26 : memref<10240x8xf32, #tpu.memory_space<vmem_shared>>)
        tpu.yield
      }) : () -> ()
    }
    %scan3A_6 = arith.constant 80 : i32
    %barrier3A_7 = arith.constant 0 : index
    tpu.barrier barrier_id(%barrier3A_7)
    %mul3A_8 = arith.constant 640 : i32
    %mul3A_9 = arith.muli %arg1, %mul3A_8 : i32
    %mul3A_10 = arith.constant 640 : i32
    %mul3A_11 = arith.muli %arg1, %mul3A_10 : i32
    "tpu.region"() ({
      %run_scoped3A = tpu.sem_alloc : memref<!tpu.dma_semaphore, #tpu.memory_space<semaphore_mem>>
      %dma_start3A = arith.constant 0 : i32
      %dma_start3A_12 = tpu.memref_slice %arg5[%arg0, %mul3A_11, %dma_start3A] : memref<2x10240x8xf32, #tpu.memory_space<hbm>> -> memref<1x640x8xf32, #tpu.memory_space<hbm>>
      %dma_start3A_13 = tpu.memref_squeeze %dma_start3A_12 : memref<1x640x8xf32, #tpu.memory_space<hbm>> -> memref<640x8xf32, #tpu.memory_space<hbm>>
      %dma_start3A_14 = arith.constant 0 : i32
      %dma_start3A_15 = tpu.memref_slice %arg8[%mul3A_9, %dma_start3A_14] : memref<10240x8xf32, #tpu.memory_space<vmem_shared>> -> memref<640x8xf32, #tpu.memory_space<vmem_shared>>
      tpu.enqueue_dma source(%dma_start3A_15 : memref<640x8xf32, #tpu.memory_space<vmem_shared>>) target(%dma_start3A_13 : memref<640x8xf32, #tpu.memory_space<hbm>>) target_semaphore(%run_scoped3A : memref<!tpu.dma_semaphore, #tpu.memory_space<semaphore_mem>>)
      %dma_wait3A = arith.constant 0 : i32
      %dma_wait3A_16 = tpu.memref_slice %arg5[%arg0, %mul3A_11, %dma_wait3A] : memref<2x10240x8xf32, #tpu.memory_space<hbm>> -> memref<1x640x8xf32, #tpu.memory_space<hbm>>
      %dma_wait3A_17 = tpu.memref_squeeze %dma_wait3A_16 : memref<1x640x8xf32, #tpu.memory_space<hbm>> -> memref<640x8xf32, #tpu.memory_space<hbm>>
      %dma_wait3A_18 = arith.constant 0 : i32
      %dma_wait3A_19 = tpu.memref_slice %arg8[%mul3A_9, %dma_wait3A_18] : memref<10240x8xf32, #tpu.memory_space<vmem_shared>> -> memref<640x8xf32, #tpu.memory_space<vmem_shared>>
      tpu.wait_dma2 semaphore(%run_scoped3A : memref<!tpu.dma_semaphore, #tpu.memory_space<semaphore_mem>>) src(%dma_wait3A_19 : memref<640x8xf32, #tpu.memory_space<vmem_shared>>) dst(%dma_wait3A_17 : memref<640x8xf32, #tpu.memory_space<hbm>>)
      tpu.yield
    }) : () -> ()
    return
  }
}

#map = affine_map<(d0, d1) -> (0, 0)>
#map1 = affine_map<(d0, d1) -> (0, 0, 0)>
module attributes {stable_mosaic.version = 14 : i64} {
  func.func @_sc_propagate(%arg0: i32, %arg1: i32, %arg2: memref<10000x128xf32, #tpu.memory_space<hbm>>, %arg3: memref<32x80x128xi32, #tpu.memory_space<hbm>>, %arg4: memref<32x80x128xi32, #tpu.memory_space<hbm>>, %arg5: memref<640x128xf32, #tpu.memory_space<hbm>>, %arg6: memref<2x10240x128xf32, #tpu.memory_space<hbm>>, %arg7: memref<80x128xi32, #tpu.memory_space<vmem>>, %arg8: memref<80x128xi32, #tpu.memory_space<vmem>>, %arg9: memref<128x128xf32, #tpu.memory_space<vmem>>, %arg10: memref<10240x128xf32, #tpu.memory_space<vmem_shared>>, %arg11: memref<!tpu.dma_semaphore, #tpu.memory_space<semaphore_mem>>) attributes {dimension_semantics = [#tpu.dimension_semantics<core_parallel>, #tpu.dimension_semantics<subcore_parallel>], iteration_bounds = array<i64: 2, 16>, scalar_prefetch = 0 : i64, scratch_operands = 5 : i64, tpu.core_type = #tpu.core_type<sc_vector_subcore>, window_params = [{transform_indices = #map}, {transform_indices = #map1}, {transform_indices = #map1}, {transform_indices = #map}, {transform_indices = #map1}]} {
    %mul3A = arith.constant 2 : i32
    %mul3A_0 = arith.muli %arg1, %mul3A : i32
    %add3A = arith.addi %mul3A_0, %arg0 : i32
    "tpu.region"() ({
      %run_scoped3A = tpu.sem_alloc : memref<!tpu.dma_semaphore, #tpu.memory_space<semaphore_mem>>
      %dma_start3A = arith.constant 0 : i32
      %dma_start3A_12 = arith.constant 0 : i32
      %dma_start3A_13 = tpu.memref_slice %arg3[%add3A, %dma_start3A, %dma_start3A_12] : memref<32x80x128xi32, #tpu.memory_space<hbm>> -> memref<1x80x128xi32, #tpu.memory_space<hbm>>
      %dma_start3A_14 = tpu.memref_squeeze %dma_start3A_13 : memref<1x80x128xi32, #tpu.memory_space<hbm>> -> memref<80x128xi32, #tpu.memory_space<hbm>>
      %dma_start3A_15 = arith.constant 0 : i32
      %dma_start3A_16 = arith.constant 0 : i32
      %dma_start3A_17 = tpu.memref_slice %arg3[%add3A, %dma_start3A_15, %dma_start3A_16] : memref<32x80x128xi32, #tpu.memory_space<hbm>> -> memref<1x80x128xi32, #tpu.memory_space<hbm>>
      %dma_start3A_18 = tpu.memref_squeeze %dma_start3A_17 : memref<1x80x128xi32, #tpu.memory_space<hbm>> -> memref<80x128xi32, #tpu.memory_space<hbm>>
      tpu.enqueue_dma source(%dma_start3A_18 : memref<80x128xi32, #tpu.memory_space<hbm>>) target(%arg7 : memref<80x128xi32, #tpu.memory_space<vmem>>) target_semaphore(%run_scoped3A : memref<!tpu.dma_semaphore, #tpu.memory_space<semaphore_mem>>)
      %dma_wait3A = arith.constant 0 : i32
      %dma_wait3A_19 = arith.constant 0 : i32
      %dma_wait3A_20 = tpu.memref_slice %arg3[%add3A, %dma_wait3A, %dma_wait3A_19] : memref<32x80x128xi32, #tpu.memory_space<hbm>> -> memref<1x80x128xi32, #tpu.memory_space<hbm>>
      %dma_wait3A_21 = tpu.memref_squeeze %dma_wait3A_20 : memref<1x80x128xi32, #tpu.memory_space<hbm>> -> memref<80x128xi32, #tpu.memory_space<hbm>>
      %dma_wait3A_22 = arith.constant 0 : i32
      %dma_wait3A_23 = arith.constant 0 : i32
      %dma_wait3A_24 = tpu.memref_slice %arg3[%add3A, %dma_wait3A_22, %dma_wait3A_23] : memref<32x80x128xi32, #tpu.memory_space<hbm>> -> memref<1x80x128xi32, #tpu.memory_space<hbm>>
      %dma_wait3A_25 = tpu.memref_squeeze %dma_wait3A_24 : memref<1x80x128xi32, #tpu.memory_space<hbm>> -> memref<80x128xi32, #tpu.memory_space<hbm>>
      tpu.wait_dma2 semaphore(%run_scoped3A : memref<!tpu.dma_semaphore, #tpu.memory_space<semaphore_mem>>) src(%dma_wait3A_25 : memref<80x128xi32, #tpu.memory_space<hbm>>) dst(%arg7 : memref<80x128xi32, #tpu.memory_space<vmem>>)
      tpu.yield
    }) : () -> ()
    "tpu.region"() ({
      %run_scoped3A = tpu.sem_alloc : memref<!tpu.dma_semaphore, #tpu.memory_space<semaphore_mem>>
      %dma_start3A = arith.constant 0 : i32
      %dma_start3A_12 = arith.constant 0 : i32
      %dma_start3A_13 = tpu.memref_slice %arg4[%add3A, %dma_start3A, %dma_start3A_12] : memref<32x80x128xi32, #tpu.memory_space<hbm>> -> memref<1x80x128xi32, #tpu.memory_space<hbm>>
      %dma_start3A_14 = tpu.memref_squeeze %dma_start3A_13 : memref<1x80x128xi32, #tpu.memory_space<hbm>> -> memref<80x128xi32, #tpu.memory_space<hbm>>
      %dma_start3A_15 = arith.constant 0 : i32
      %dma_start3A_16 = arith.constant 0 : i32
      %dma_start3A_17 = tpu.memref_slice %arg4[%add3A, %dma_start3A_15, %dma_start3A_16] : memref<32x80x128xi32, #tpu.memory_space<hbm>> -> memref<1x80x128xi32, #tpu.memory_space<hbm>>
      %dma_start3A_18 = tpu.memref_squeeze %dma_start3A_17 : memref<1x80x128xi32, #tpu.memory_space<hbm>> -> memref<80x128xi32, #tpu.memory_space<hbm>>
      tpu.enqueue_dma source(%dma_start3A_18 : memref<80x128xi32, #tpu.memory_space<hbm>>) target(%arg8 : memref<80x128xi32, #tpu.memory_space<vmem>>) target_semaphore(%run_scoped3A : memref<!tpu.dma_semaphore, #tpu.memory_space<semaphore_mem>>)
      %dma_wait3A = arith.constant 0 : i32
      %dma_wait3A_19 = arith.constant 0 : i32
      %dma_wait3A_20 = tpu.memref_slice %arg4[%add3A, %dma_wait3A, %dma_wait3A_19] : memref<32x80x128xi32, #tpu.memory_space<hbm>> -> memref<1x80x128xi32, #tpu.memory_space<hbm>>
      %dma_wait3A_21 = tpu.memref_squeeze %dma_wait3A_20 : memref<1x80x128xi32, #tpu.memory_space<hbm>> -> memref<80x128xi32, #tpu.memory_space<hbm>>
      %dma_wait3A_22 = arith.constant 0 : i32
      %dma_wait3A_23 = arith.constant 0 : i32
      %dma_wait3A_24 = tpu.memref_slice %arg4[%add3A, %dma_wait3A_22, %dma_wait3A_23] : memref<32x80x128xi32, #tpu.memory_space<hbm>> -> memref<1x80x128xi32, #tpu.memory_space<hbm>>
      %dma_wait3A_25 = tpu.memref_squeeze %dma_wait3A_24 : memref<1x80x128xi32, #tpu.memory_space<hbm>> -> memref<80x128xi32, #tpu.memory_space<hbm>>
      tpu.wait_dma2 semaphore(%run_scoped3A : memref<!tpu.dma_semaphore, #tpu.memory_space<semaphore_mem>>) src(%dma_wait3A_25 : memref<80x128xi32, #tpu.memory_space<hbm>>) dst(%arg8 : memref<80x128xi32, #tpu.memory_space<vmem>>)
      tpu.yield
    }) : () -> ()
    %mul3A_1 = arith.constant 640 : i32
    %mul3A_2 = arith.muli %arg1, %mul3A_1 : i32
    "tpu.region"() ({
      %run_scoped3A = tpu.sem_alloc : memref<!tpu.dma_semaphore, #tpu.memory_space<semaphore_mem>>
      %dma_start3A = arith.constant 0 : i32
      %dma_start3A_12 = tpu.memref_slice %arg10[%mul3A_2, %dma_start3A] : memref<10240x128xf32, #tpu.memory_space<vmem_shared>> -> memref<640x128xf32, #tpu.memory_space<vmem_shared>>
      tpu.enqueue_dma source(%arg5 : memref<640x128xf32, #tpu.memory_space<hbm>>) target(%dma_start3A_12 : memref<640x128xf32, #tpu.memory_space<vmem_shared>>) target_semaphore(%run_scoped3A : memref<!tpu.dma_semaphore, #tpu.memory_space<semaphore_mem>>)
      %dma_wait3A = arith.constant 0 : i32
      %dma_wait3A_13 = tpu.memref_slice %arg10[%mul3A_2, %dma_wait3A] : memref<10240x128xf32, #tpu.memory_space<vmem_shared>> -> memref<640x128xf32, #tpu.memory_space<vmem_shared>>
      tpu.wait_dma2 semaphore(%run_scoped3A : memref<!tpu.dma_semaphore, #tpu.memory_space<semaphore_mem>>) src(%arg5 : memref<640x128xf32, #tpu.memory_space<hbm>>) dst(%dma_wait3A_13 : memref<640x128xf32, #tpu.memory_space<vmem_shared>>)
      tpu.yield
    }) : () -> ()
    %barrier3A = arith.constant 0 : index
    tpu.barrier barrier_id(%barrier3A)
    %scan3A = arith.constant 0 : i32
    %scan3A_3 = arith.constant 80 : i32
    %scan3A_4 = arith.addi %scan3A, %scan3A_3 : i32
    %scan3A_5 = arith.constant 1 : i32
    scf.for %scan3A_12 = %scan3A to %scan3A_4 step %scan3A_5  : i32 {
      %mul3A_13 = arith.constant 1 : i32
      %mul3A_14 = arith.muli %scan3A_12, %mul3A_13 : i32
      %add3A_15 = arith.constant 0 : i32
      %add3A_16 = arith.addi %add3A_15, %mul3A_14 : i32
      %dma_start3A = arith.constant 0 : i32
      %dma_start3A_17 = tpu.memref_slice %arg7[%add3A_16, %dma_start3A] : memref<80x128xi32, #tpu.memory_space<vmem>> -> memref<1x128xi32, #tpu.memory_space<vmem>>
      %dma_start3A_18 = tpu.memref_squeeze %dma_start3A_17 : memref<1x128xi32, #tpu.memory_space<vmem>> -> memref<128xi32, #tpu.memory_space<vmem>>
      %dma_start3A_19 = arith.constant 0 : i32
      %dma_start3A_20 = arith.constant 0 : i32
      %dma_start3A_21 = tpu.memref_slice %arg2[%dma_start3A_19, %dma_start3A_20] : memref<10000x128xf32, #tpu.memory_space<hbm>> -> memref<10000x128xf32, #tpu.memory_space<hbm>>
      tpu.enqueue_indirect_dma source(%dma_start3A_21 : memref<10000x128xf32, #tpu.memory_space<hbm>>) target(%arg9 : memref<128x128xf32, #tpu.memory_space<vmem>>) offsets(%dma_start3A_18 : memref<128xi32, #tpu.memory_space<vmem>>) semaphore(%arg11 : memref<!tpu.dma_semaphore, #tpu.memory_space<semaphore_mem>>)
      %dma_wait3A = arith.constant 0 : i32
      %dma_wait3A_22 = tpu.memref_slice %arg7[%add3A_16, %dma_wait3A] : memref<80x128xi32, #tpu.memory_space<vmem>> -> memref<1x128xi32, #tpu.memory_space<vmem>>
      %dma_wait3A_23 = tpu.memref_squeeze %dma_wait3A_22 : memref<1x128xi32, #tpu.memory_space<vmem>> -> memref<128xi32, #tpu.memory_space<vmem>>
      %dma_wait3A_24 = arith.constant 0 : i32
      %dma_wait3A_25 = arith.constant 0 : i32
      %dma_wait3A_26 = tpu.memref_slice %arg2[%dma_wait3A_24, %dma_wait3A_25] : memref<10000x128xf32, #tpu.memory_space<hbm>> -> memref<10000x128xf32, #tpu.memory_space<hbm>>
      tpu.wait_indirect_dma semaphore(%arg11 : memref<!tpu.dma_semaphore, #tpu.memory_space<semaphore_mem>>) src(%dma_wait3A_26 : memref<10000x128xf32, #tpu.memory_space<hbm>>) dst(%arg9 : memref<128x128xf32, #tpu.memory_space<vmem>>)
      "tpu.region"() ({
        %run_scoped3A = tpu.sem_alloc : memref<!tpu.dma_semaphore, #tpu.memory_space<semaphore_mem>>
        %dma_start3A_27 = arith.constant 0 : i32
        %dma_start3A_28 = tpu.memref_slice %arg8[%add3A_16, %dma_start3A_27] : memref<80x128xi32, #tpu.memory_space<vmem>> -> memref<1x128xi32, #tpu.memory_space<vmem>>
        %dma_start3A_29 = tpu.memref_squeeze %dma_start3A_28 : memref<1x128xi32, #tpu.memory_space<vmem>> -> memref<128xi32, #tpu.memory_space<vmem>>
        %dma_start3A_30 = arith.constant 0 : i32
        %dma_start3A_31 = arith.constant 0 : i32
        %dma_start3A_32 = tpu.memref_slice %arg10[%dma_start3A_30, %dma_start3A_31] : memref<10240x128xf32, #tpu.memory_space<vmem_shared>> -> memref<10240x128xf32, #tpu.memory_space<vmem_shared>>
        tpu.enqueue_indirect_dma source(%arg9 : memref<128x128xf32, #tpu.memory_space<vmem>>) target(%dma_start3A_32 : memref<10240x128xf32, #tpu.memory_space<vmem_shared>>) offsets(%dma_start3A_29 : memref<128xi32, #tpu.memory_space<vmem>>) semaphore(%run_scoped3A : memref<!tpu.dma_semaphore, #tpu.memory_space<semaphore_mem>>) {add = true}
        %dma_wait3A_33 = arith.constant 0 : i32
        %dma_wait3A_34 = tpu.memref_slice %arg8[%add3A_16, %dma_wait3A_33] : memref<80x128xi32, #tpu.memory_space<vmem>> -> memref<1x128xi32, #tpu.memory_space<vmem>>
        %dma_wait3A_35 = tpu.memref_squeeze %dma_wait3A_34 : memref<1x128xi32, #tpu.memory_space<vmem>> -> memref<128xi32, #tpu.memory_space<vmem>>
        %dma_wait3A_36 = arith.constant 0 : i32
        %dma_wait3A_37 = arith.constant 0 : i32
        %dma_wait3A_38 = tpu.memref_slice %arg10[%dma_wait3A_36, %dma_wait3A_37] : memref<10240x128xf32, #tpu.memory_space<vmem_shared>> -> memref<10240x128xf32, #tpu.memory_space<vmem_shared>>
        tpu.wait_indirect_dma semaphore(%run_scoped3A : memref<!tpu.dma_semaphore, #tpu.memory_space<semaphore_mem>>) src(%arg9 : memref<128x128xf32, #tpu.memory_space<vmem>>) dst(%dma_wait3A_38 : memref<10240x128xf32, #tpu.memory_space<vmem_shared>>)
        tpu.yield
      }) : () -> ()
    }
    %scan3A_6 = arith.constant 80 : i32
    %barrier3A_7 = arith.constant 0 : index
    tpu.barrier barrier_id(%barrier3A_7)
    %mul3A_8 = arith.constant 640 : i32
    %mul3A_9 = arith.muli %arg1, %mul3A_8 : i32
    %mul3A_10 = arith.constant 640 : i32
    %mul3A_11 = arith.muli %arg1, %mul3A_10 : i32
    "tpu.region"() ({
      %run_scoped3A = tpu.sem_alloc : memref<!tpu.dma_semaphore, #tpu.memory_space<semaphore_mem>>
      %dma_start3A = arith.constant 0 : i32
      %dma_start3A_12 = tpu.memref_slice %arg6[%arg0, %mul3A_11, %dma_start3A] : memref<2x10240x128xf32, #tpu.memory_space<hbm>> -> memref<1x640x128xf32, #tpu.memory_space<hbm>>
      %dma_start3A_13 = tpu.memref_squeeze %dma_start3A_12 : memref<1x640x128xf32, #tpu.memory_space<hbm>> -> memref<640x128xf32, #tpu.memory_space<hbm>>
      %dma_start3A_14 = arith.constant 0 : i32
      %dma_start3A_15 = tpu.memref_slice %arg10[%mul3A_9, %dma_start3A_14] : memref<10240x128xf32, #tpu.memory_space<vmem_shared>> -> memref<640x128xf32, #tpu.memory_space<vmem_shared>>
      tpu.enqueue_dma source(%dma_start3A_15 : memref<640x128xf32, #tpu.memory_space<vmem_shared>>) target(%dma_start3A_13 : memref<640x128xf32, #tpu.memory_space<hbm>>) target_semaphore(%run_scoped3A : memref<!tpu.dma_semaphore, #tpu.memory_space<semaphore_mem>>)
      %dma_wait3A = arith.constant 0 : i32
      %dma_wait3A_16 = tpu.memref_slice %arg6[%arg0, %mul3A_11, %dma_wait3A] : memref<2x10240x128xf32, #tpu.memory_space<hbm>> -> memref<1x640x128xf32, #tpu.memory_space<hbm>>
      %dma_wait3A_17 = tpu.memref_squeeze %dma_wait3A_16 : memref<1x640x128xf32, #tpu.memory_space<hbm>> -> memref<640x128xf32, #tpu.memory_space<hbm>>
      %dma_wait3A_18 = arith.constant 0 : i32
      %dma_wait3A_19 = tpu.memref_slice %arg10[%mul3A_9, %dma_wait3A_18] : memref<10240x128xf32, #tpu.memory_space<vmem_shared>> -> memref<640x128xf32, #tpu.memory_space<vmem_shared>>
      tpu.wait_dma2 semaphore(%run_scoped3A : memref<!tpu.dma_semaphore, #tpu.memory_space<semaphore_mem>>) src(%dma_wait3A_19 : memref<640x128xf32, #tpu.memory_space<vmem_shared>>) dst(%dma_wait3A_17 : memref<640x128xf32, #tpu.memory_space<hbm>>)
      tpu.yield
    }) : () -> ()
    return
  }
}

module attributes {stable_mosaic.version = 14 : i64} {
  func.func @_embed_body(%arg0: i32, %arg1: memref<1000x128xf32, #tpu.memory_space<vmem>>, %arg2: memref<128x128xf32, #tpu.memory_space<vmem>>, %arg3: memref<1x128xf32, #tpu.memory_space<vmem>>, %arg4: memref<128x128xf32, #tpu.memory_space<vmem>>, %arg5: memref<1000x128xf32, #tpu.memory_space<vmem>>, %arg6: memref<1000x128xf32, #tpu.memory_space<vmem>>) attributes {dimension_semantics = [#tpu.dimension_semantics<arbitrary>], iteration_bounds = array<i64: 10>, scalar_prefetch = 0 : i64, scratch_operands = 0 : i64, tpu.core_type = #tpu.core_type<tc>, window_params = [{transform_indices = @transform_0, window_bounds = array<i64: 1000, 128>}, {pipeline_mode = #tpu.pipeline_mode<synchronous>, transform_indices = @transform_1, window_bounds = array<i64: 128, 128>}, {pipeline_mode = #tpu.pipeline_mode<synchronous>, transform_indices = @transform_2, window_bounds = array<i64: 1, 128>}, {pipeline_mode = #tpu.pipeline_mode<synchronous>, transform_indices = @transform_3, window_bounds = array<i64: 128, 128>}, {transform_indices = @transform_4, window_bounds = array<i64: 1000, 128>}, {transform_indices = @transform_5, window_bounds = array<i64: 1000, 128>}]} {
    %get3A = arith.constant 0 : index
    %get3A_0 = arith.constant 0 : index
    %get3A_1 = vector.load %arg1[%get3A, %get3A_0] : memref<1000x128xf32, #tpu.memory_space<vmem>>, vector<1000x128xf32>
    %get3A_2 = arith.constant 0 : index
    %get3A_3 = arith.constant 0 : index
    %get3A_4 = vector.load %arg2[%get3A_2, %get3A_3] : memref<128x128xf32, #tpu.memory_space<vmem>>, vector<128x128xf32>
    %dot_general3A = arith.constant dense<0.000000e+00> : vector<1000x128xf32>
    %dot_general3A_5 = tpu.matmul %get3A_1, %get3A_4, %dot_general3A {dimension_numbers = #tpu.dot_dimension_numbers<[1], [0], [0], [1], [0, 0, 1, 1], [], []>, transpose_lhs_hint = false} : vector<1000x128xf32>, vector<128x128xf32>, vector<1000x128xf32> -> vector<1000x128xf32>
    %get3A_6 = arith.constant 0 : index
    %get3A_7 = arith.constant 0 : index
    %get3A_8 = vector.load %arg3[%get3A_6, %get3A_7] : memref<1x128xf32, #tpu.memory_space<vmem>>, vector<1x128xf32>
    %add3A = vector.broadcast %get3A_8 : vector<1x128xf32> to vector<1000x128xf32>
    %add3A_9 = arith.addf %dot_general3A_5, %add3A : vector<1000x128xf32>
    %swap3A = arith.constant 0 : index
    %swap3A_10 = arith.constant 0 : index
    %swap3A_11 = vector.load %arg5[%swap3A, %swap3A_10] : memref<1000x128xf32, #tpu.memory_space<vmem>>, vector<1000x128xf32>
    tpu.vector_store %arg5[%swap3A, %swap3A_10], %add3A_9 {strides = array<i32>} : memref<1000x128xf32, #tpu.memory_space<vmem>>, vector<1000x128xf32>,
    %get3A_12 = arith.constant 0 : index
    %get3A_13 = arith.constant 0 : index
    %get3A_14 = vector.load %arg4[%get3A_12, %get3A_13] : memref<128x128xf32, #tpu.memory_space<vmem>>, vector<128x128xf32>
    %dot_general3A_15 = arith.constant dense<0.000000e+00> : vector<1000x128xf32>
    %dot_general3A_16 = tpu.matmul %add3A_9, %get3A_14, %dot_general3A_15 {dimension_numbers = #tpu.dot_dimension_numbers<[1], [0], [0], [1], [0, 0, 1, 1], [], []>, transpose_lhs_hint = false} : vector<1000x128xf32>, vector<128x128xf32>, vector<1000x128xf32> -> vector<1000x128xf32>
    %swap3A_17 = arith.constant 0 : index
    %swap3A_18 = arith.constant 0 : index
    %swap3A_19 = vector.load %arg6[%swap3A_17, %swap3A_18] : memref<1000x128xf32, #tpu.memory_space<vmem>>, vector<1000x128xf32>
    tpu.vector_store %arg6[%swap3A_17, %swap3A_18], %dot_general3A_16 {strides = array<i32>} : memref<1000x128xf32, #tpu.memory_space<vmem>>, vector<1000x128xf32>,
    return
  }
  func.func @transform_0(%arg0: i32) -> (i32, i32) {
    %c0_i32 = arith.constant 0 : i32
    %c0_i32_0 = arith.constant 0 : i32
    return %arg0, %c0_i32 : i32, i32
  }
  func.func @transform_1(%arg0: i32) -> (i32, i32) {
    %c0_i32 = arith.constant 0 : i32
    %c0_i32_0 = arith.constant 0 : i32
    %c0_i32_1 = arith.constant 0 : i32
    return %c0_i32, %c0_i32_0 : i32, i32
  }
  func.func @transform_2(%arg0: i32) -> (i32, i32) {
    %c0_i32 = arith.constant 0 : i32
    %c0_i32_0 = arith.constant 0 : i32
    %c0_i32_1 = arith.constant 0 : i32
    return %c0_i32, %c0_i32_0 : i32, i32
  }
  func.func @transform_3(%arg0: i32) -> (i32, i32) {
    %c0_i32 = arith.constant 0 : i32
    %c0_i32_0 = arith.constant 0 : i32
    %c0_i32_1 = arith.constant 0 : i32
    return %c0_i32, %c0_i32_0 : i32, i32
  }
  func.func @transform_4(%arg0: i32) -> (i32, i32) {
    %c0_i32 = arith.constant 0 : i32
    %c0_i32_0 = arith.constant 0 : i32
    return %arg0, %c0_i32 : i32, i32
  }
  func.func @transform_5(%arg0: i32) -> (i32, i32) {
    %c0_i32 = arith.constant 0 : i32
    %c0_i32_0 = arith.constant 0 : i32
    return %arg0, %c0_i32 : i32, i32
  }
}

module attributes {stable_mosaic.version = 14 : i64} {
  func.func @_prep_body(%arg0: i32, %arg1: memref<1x384x128xf32, #tpu.memory_space<vmem>>, %arg2: memref<1x1x128xf32, #tpu.memory_space<vmem>>, %arg3: memref<1x256x128xf32, #tpu.memory_space<vmem>>, %arg4: memref<1x1x128xf32, #tpu.memory_space<vmem>>, %arg5: memref<1x128xf32, #tpu.memory_space<vmem>>, %arg6: memref<1x128xf32, #tpu.memory_space<vmem>>, %arg7: memref<1x128x128xf32, #tpu.memory_space<vmem>>, %arg8: memref<1x8x128xf32, #tpu.memory_space<vmem>>) attributes {dimension_semantics = [#tpu.dimension_semantics<arbitrary>], iteration_bounds = array<i64: 3>, scalar_prefetch = 0 : i64, scratch_operands = 0 : i64, tpu.core_type = #tpu.core_type<tc>, window_params = [{transform_indices = @transform_0, window_bounds = array<i64: 1, 384, 128>}, {transform_indices = @transform_1, window_bounds = array<i64: 1, 1, 128>}, {transform_indices = @transform_2, window_bounds = array<i64: 1, 256, 128>}, {transform_indices = @transform_3, window_bounds = array<i64: 1, 1, 128>}, {pipeline_mode = #tpu.pipeline_mode<synchronous>, transform_indices = @transform_4, window_bounds = array<i64: 1, 128>}, {pipeline_mode = #tpu.pipeline_mode<synchronous>, transform_indices = @transform_5, window_bounds = array<i64: 1, 128>}, {transform_indices = @transform_6, window_bounds = array<i64: 1, 128, 128>}, {transform_indices = @transform_7, window_bounds = array<i64: 1, 8, 128>}]} {
    %get3A = arith.constant 0 : index
    %get3A_0 = arith.constant 128 : index
    %get3A_1 = arith.constant 0 : index
    %get3A_2 = vector.load %arg1[%get3A, %get3A_0, %get3A_1] : memref<1x384x128xf32, #tpu.memory_space<vmem>>, vector<1x128x128xf32>
    %get3A_3 = vector.shape_cast %get3A_2 : vector<1x128x128xf32> to vector<128x128xf32>
    %get3A_4 = arith.constant 0 : index
    %get3A_5 = arith.constant 256 : index
    %get3A_6 = arith.constant 0 : index
    %get3A_7 = vector.load %arg1[%get3A_4, %get3A_5, %get3A_6] : memref<1x384x128xf32, #tpu.memory_space<vmem>>, vector<1x128x128xf32>
    %get3A_8 = vector.shape_cast %get3A_7 : vector<1x128x128xf32> to vector<128x128xf32>
    %get3A_9 = arith.constant 0 : index
    %get3A_10 = arith.constant 128 : index
    %get3A_11 = arith.constant 0 : index
    %get3A_12 = vector.load %arg3[%get3A_9, %get3A_10, %get3A_11] : memref<1x256x128xf32, #tpu.memory_space<vmem>>, vector<1x128x128xf32>
    %get3A_13 = vector.shape_cast %get3A_12 : vector<1x128x128xf32> to vector<128x128xf32>
    %get3A_14 = arith.constant 0 : index
    %get3A_15 = arith.constant 0 : index
    %get3A_16 = vector.load %arg5[%get3A_14, %get3A_15] : memref<1x128xf32, #tpu.memory_space<vmem>>, vector<1x128xf32>
    %dot_general3A = arith.constant dense<0.000000e+00> : vector<1x128xf32>
    %dot_general3A_17 = tpu.matmul %get3A_16, %get3A_8, %dot_general3A {dimension_numbers = #tpu.dot_dimension_numbers<[1], [0], [0], [1], [0, 0, 1, 1], [], []>, transpose_lhs_hint = false} : vector<1x128xf32>, vector<128x128xf32>, vector<1x128xf32> -> vector<1x128xf32>
    %get3A_18 = arith.constant 0 : index
    %get3A_19 = arith.constant 0 : index
    %get3A_20 = vector.load %arg6[%get3A_18, %get3A_19] : memref<1x128xf32, #tpu.memory_space<vmem>>, vector<1x128xf32>
    %dot_general3A_21 = arith.constant dense<0.000000e+00> : vector<1x128xf32>
    %dot_general3A_22 = tpu.matmul %get3A_20, %get3A_8, %dot_general3A_21 {dimension_numbers = #tpu.dot_dimension_numbers<[1], [0], [0], [1], [0, 0, 1, 1], [], []>, transpose_lhs_hint = false} : vector<1x128xf32>, vector<128x128xf32>, vector<1x128xf32> -> vector<1x128xf32>
    %get3A_23 = arith.constant 0 : index
    %get3A_24 = arith.constant 0 : index
    %get3A_25 = arith.constant 0 : index
    %get3A_26 = vector.load %arg2[%get3A_23, %get3A_24, %get3A_25] : memref<1x1x128xf32, #tpu.memory_space<vmem>>, vector<1x1x128xf32>
    %get3A_27 = vector.shape_cast %get3A_26 : vector<1x1x128xf32> to vector<1x128xf32>
    %add3A = arith.addf %dot_general3A_22, %get3A_27 : vector<1x128xf32>
    %dot_general3A_28 = arith.constant dense<0.000000e+00> : vector<1x128xf32>
    %dot_general3A_29 = tpu.matmul %dot_general3A_17, %get3A_13, %dot_general3A_28 {dimension_numbers = #tpu.dot_dimension_numbers<[1], [0], [0], [1], [0, 0, 1, 1], [], []>, transpose_lhs_hint = false} : vector<1x128xf32>, vector<128x128xf32>, vector<1x128xf32> -> vector<1x128xf32>
    %dot_general3A_30 = arith.constant dense<0.000000e+00> : vector<1x128xf32>
    %dot_general3A_31 = tpu.matmul %add3A, %get3A_13, %dot_general3A_30 {dimension_numbers = #tpu.dot_dimension_numbers<[1], [0], [0], [1], [0, 0, 1, 1], [], []>, transpose_lhs_hint = false} : vector<1x128xf32>, vector<128x128xf32>, vector<1x128xf32> -> vector<1x128xf32>
    %dot_general3A_32 = arith.constant dense<0.000000e+00> : vector<128x128xf32>
    %dot_general3A_33 = tpu.matmul %get3A_3, %get3A_13, %dot_general3A_32 {dimension_numbers = #tpu.dot_dimension_numbers<[1], [0], [0], [1], [0, 0, 1, 1], [], []>, transpose_lhs_hint = false} : vector<128x128xf32>, vector<128x128xf32>, vector<128x128xf32> -> vector<128x128xf32>
    %broadcast_in_dim3A = vector.shape_cast %dot_general3A_33 : vector<128x128xf32> to vector<1x128x128xf32>
    %swap3A = arith.constant 0 : index
    %swap3A_34 = arith.constant 0 : index
    %swap3A_35 = arith.constant 0 : index
    %swap3A_36 = vector.load %arg7[%swap3A, %swap3A_34, %swap3A_35] : memref<1x128x128xf32, #tpu.memory_space<vmem>>, vector<1x128x128xf32>
    tpu.vector_store %arg7[%swap3A, %swap3A_34, %swap3A_35], %broadcast_in_dim3A {strides = array<i32>} : memref<1x128x128xf32, #tpu.memory_space<vmem>>, vector<1x128x128xf32>,
    %get3A_37 = arith.constant 0 : index
    %get3A_38 = arith.constant 0 : index
    %get3A_39 = arith.constant 0 : index
    %get3A_40 = vector.load %arg4[%get3A_37, %get3A_38, %get3A_39] : memref<1x1x128xf32, #tpu.memory_space<vmem>>, vector<1x1x128xf32>
    %get3A_41 = vector.shape_cast %get3A_40 : vector<1x1x128xf32> to vector<1x128xf32>
    %broadcast_in_dim3A_42 = arith.constant 0.000000e+00 : f32
    %broadcast_in_dim3A_43 = vector.broadcast %broadcast_in_dim3A_42 : f32 to vector<5x128xf32>
    %concatenate3A = tpu.concatenate %dot_general3A_29, %dot_general3A_31, %get3A_41, %broadcast_in_dim3A_43 in 0 : vector<1x128xf32>, vector<1x128xf32>, vector<1x128xf32>, vector<5x128xf32> -> vector<8x128xf32>
    %broadcast_in_dim3A_44 = vector.shape_cast %concatenate3A : vector<8x128xf32> to vector<1x8x128xf32>
    %swap3A_45 = arith.constant 0 : index
    %swap3A_46 = arith.constant 0 : index
    %swap3A_47 = arith.constant 0 : index
    %swap3A_48 = vector.load %arg8[%swap3A_45, %swap3A_46, %swap3A_47] : memref<1x8x128xf32, #tpu.memory_space<vmem>>, vector<1x8x128xf32>
    tpu.vector_store %arg8[%swap3A_45, %swap3A_46, %swap3A_47], %broadcast_in_dim3A_44 {strides = array<i32>} : memref<1x8x128xf32, #tpu.memory_space<vmem>>, vector<1x8x128xf32>,
    return
  }
  func.func @transform_0(%arg0: i32) -> (i32, i32, i32) {
    %c0_i32 = arith.constant 0 : i32
    %c0_i32_0 = arith.constant 0 : i32
    %c0_i32_1 = arith.constant 0 : i32
    return %arg0, %c0_i32, %c0_i32_0 : i32, i32, i32
  }
  func.func @transform_1(%arg0: i32) -> (i32, i32, i32) {
    %c0_i32 = arith.constant 0 : i32
    %c0_i32_0 = arith.constant 0 : i32
    %c0_i32_1 = arith.constant 0 : i32
    return %arg0, %c0_i32, %c0_i32_0 : i32, i32, i32
  }
  func.func @transform_2(%arg0: i32) -> (i32, i32, i32) {
    %c0_i32 = arith.constant 0 : i32
    %c0_i32_0 = arith.constant 0 : i32
    %c0_i32_1 = arith.constant 0 : i32
    return %arg0, %c0_i32, %c0_i32_0 : i32, i32, i32
  }
  func.func @transform_3(%arg0: i32) -> (i32, i32, i32) {
    %c0_i32 = arith.constant 0 : i32
    %c0_i32_0 = arith.constant 0 : i32
    %c0_i32_1 = arith.constant 0 : i32
    return %arg0, %c0_i32, %c0_i32_0 : i32, i32, i32
  }
  func.func @transform_4(%arg0: i32) -> (i32, i32) {
    %c0_i32 = arith.constant 0 : i32
    %c0_i32_0 = arith.constant 0 : i32
    %c0_i32_1 = arith.constant 0 : i32
    return %c0_i32, %c0_i32_0 : i32, i32
  }
  func.func @transform_5(%arg0: i32) -> (i32, i32) {
    %c0_i32 = arith.constant 0 : i32
    %c0_i32_0 = arith.constant 0 : i32
    %c0_i32_1 = arith.constant 0 : i32
    return %c0_i32, %c0_i32_0 : i32, i32
  }
  func.func @transform_6(%arg0: i32) -> (i32, i32, i32) {
    %c0_i32 = arith.constant 0 : i32
    %c0_i32_0 = arith.constant 0 : i32
    %c0_i32_1 = arith.constant 0 : i32
    return %arg0, %c0_i32, %c0_i32_0 : i32, i32, i32
  }
  func.func @transform_7(%arg0: i32) -> (i32, i32, i32) {
    %c0_i32 = arith.constant 0 : i32
    %c0_i32_0 = arith.constant 0 : i32
    %c0_i32_1 = arith.constant 0 : i32
    return %arg0, %c0_i32, %c0_i32_0 : i32, i32, i32
  }
}

module attributes {stable_mosaic.version = 14 : i64} {
  func.func @_update_body(%arg0: i32, %arg1: memref<1000x128xf32, #tpu.memory_space<vmem>>, %arg2: memref<1000x128xf32, #tpu.memory_space<vmem>>, %arg3: memref<1000x128xf32, #tpu.memory_space<vmem>>, %arg4: memref<1000x8xf32, #tpu.memory_space<vmem>>, %arg5: memref<1000x8xf32, #tpu.memory_space<vmem>>, %arg6: memref<128x128xf32, #tpu.memory_space<vmem>>, %arg7: memref<128x128xf32, #tpu.memory_space<vmem>>, %arg8: memref<128x128xf32, #tpu.memory_space<vmem>>, %arg9: memref<8x128xf32, #tpu.memory_space<vmem>>, %arg10: memref<128x128xf32, #tpu.memory_space<vmem>>, %arg11: memref<1000x128xf32, #tpu.memory_space<vmem>>, %arg12: memref<1000x128xf32, #tpu.memory_space<vmem>>) attributes {dimension_semantics = [#tpu.dimension_semantics<arbitrary>], iteration_bounds = array<i64: 10>, scalar_prefetch = 0 : i64, scratch_operands = 0 : i64, tpu.core_type = #tpu.core_type<tc>, window_params = [{transform_indices = @transform_0, window_bounds = array<i64: 1000, 128>}, {transform_indices = @transform_1, window_bounds = array<i64: 1000, 128>}, {transform_indices = @transform_2, window_bounds = array<i64: 1000, 128>}, {transform_indices = @transform_3, window_bounds = array<i64: 1000, 8>}, {transform_indices = @transform_4, window_bounds = array<i64: 1000, 8>}, {pipeline_mode = #tpu.pipeline_mode<synchronous>, transform_indices = @transform_5, window_bounds = array<i64: 128, 128>}, {pipeline_mode = #tpu.pipeline_mode<synchronous>, transform_indices = @transform_6, window_bounds = array<i64: 128, 128>}, {pipeline_mode = #tpu.pipeline_mode<synchronous>, transform_indices = @transform_7, window_bounds = array<i64: 128, 128>}, {pipeline_mode = #tpu.pipeline_mode<synchronous>, transform_indices = @transform_8, window_bounds = array<i64: 8, 128>}, {pipeline_mode = #tpu.pipeline_mode<synchronous>, transform_indices = @transform_9, window_bounds = array<i64: 128, 128>}, {transform_indices = @transform_10, window_bounds = array<i64: 1000, 128>}, {transform_indices = @transform_11, window_bounds = array<i64: 1000, 128>}]} {
    %get3A = arith.constant 0 : index
    %get3A_0 = arith.constant 0 : index
    %get3A_1 = vector.load %arg1[%get3A, %get3A_0] : memref<1000x128xf32, #tpu.memory_space<vmem>>, vector<1000x128xf32>
    %get3A_2 = arith.constant 0 : index
    %get3A_3 = arith.constant 0 : index
    %get3A_4 = vector.load %arg2[%get3A_2, %get3A_3] : memref<1000x128xf32, #tpu.memory_space<vmem>>, vector<1000x128xf32>
    %get3A_5 = arith.constant 0 : index
    %get3A_6 = arith.constant 0 : index
    %get3A_7 = vector.load %arg3[%get3A_5, %get3A_6] : memref<1000x128xf32, #tpu.memory_space<vmem>>, vector<1000x128xf32>
    %add3A = arith.addf %get3A_4, %get3A_7 : vector<1000x128xf32>
    %get3A_8 = arith.constant 0 : index
    %get3A_9 = arith.constant 0 : index
    %get3A_10 = vector.load %arg4[%get3A_8, %get3A_9] : memref<1000x8xf32, #tpu.memory_space<vmem>>, vector<1000x8xf32>
    %get3A_11 = arith.constant 0 : index
    %get3A_12 = arith.constant 0 : index
    %get3A_13 = vector.load %arg5[%get3A_11, %get3A_12] : memref<1000x8xf32, #tpu.memory_space<vmem>>, vector<1000x8xf32>
    %add3A_14 = arith.addf %get3A_10, %get3A_13 : vector<1000x8xf32>
    %slice3A = vector.extract_strided_slice %add3A_14 {offsets = [0, 0], sizes = [1000, 1], strides = [1, 1]} : vector<1000x8xf32> to vector<1000x1xf32>
    %slice3A_15 = vector.extract_strided_slice %add3A_14 {offsets = [0, 1], sizes = [1000, 1], strides = [1, 1]} : vector<1000x8xf32> to vector<1000x1xf32>
    %get3A_16 = arith.constant 0 : index
    %get3A_17 = arith.constant 0 : index
    %get3A_18 = vector.load %arg9[%get3A_16, %get3A_17] : memref<8x128xf32, #tpu.memory_space<vmem>>, vector<8x128xf32>
    %get3A_19 = arith.constant 0 : index
    %get3A_20 = arith.constant 0 : index
    %get3A_21 = vector.load %arg6[%get3A_19, %get3A_20] : memref<128x128xf32, #tpu.memory_space<vmem>>, vector<128x128xf32>
    %dot_general3A = arith.constant dense<0.000000e+00> : vector<1000x128xf32>
    %dot_general3A_22 = tpu.matmul %get3A_1, %get3A_21, %dot_general3A {dimension_numbers = #tpu.dot_dimension_numbers<[1], [0], [0], [1], [0, 0, 1, 1], [], []>, transpose_lhs_hint = false} : vector<1000x128xf32>, vector<128x128xf32>, vector<1000x128xf32> -> vector<1000x128xf32>
    %get3A_23 = arith.constant 0 : index
    %get3A_24 = arith.constant 0 : index
    %get3A_25 = vector.load %arg7[%get3A_23, %get3A_24] : memref<128x128xf32, #tpu.memory_space<vmem>>, vector<128x128xf32>
    %dot_general3A_26 = arith.constant dense<0.000000e+00> : vector<1000x128xf32>
    %dot_general3A_27 = tpu.matmul %add3A, %get3A_25, %dot_general3A_26 {dimension_numbers = #tpu.dot_dimension_numbers<[1], [0], [0], [1], [0, 0, 1, 1], [], []>, transpose_lhs_hint = false} : vector<1000x128xf32>, vector<128x128xf32>, vector<1000x128xf32> -> vector<1000x128xf32>
    %add3A_28 = arith.addf %dot_general3A_22, %dot_general3A_27 : vector<1000x128xf32>
    %get3A_29 = arith.constant 0 : index
    %get3A_30 = arith.constant 0 : index
    %get3A_31 = vector.load %arg8[%get3A_29, %get3A_30] : memref<128x128xf32, #tpu.memory_space<vmem>>, vector<128x128xf32>
    %dot_general3A_32 = arith.constant dense<0.000000e+00> : vector<1000x128xf32>
    %dot_general3A_33 = tpu.matmul %get3A_1, %get3A_31, %dot_general3A_32 {dimension_numbers = #tpu.dot_dimension_numbers<[1], [0], [0], [1], [0, 0, 1, 1], [], []>, transpose_lhs_hint = false} : vector<1000x128xf32>, vector<128x128xf32>, vector<1000x128xf32> -> vector<1000x128xf32>
    %mul3A = vector.broadcast %slice3A : vector<1000x1xf32> to vector<1000x128xf32>
    %mul3A_34 = arith.mulf %mul3A, %dot_general3A_33 : vector<1000x128xf32>
    %add3A_35 = arith.addf %add3A_28, %mul3A_34 : vector<1000x128xf32>
    %slice3A_36 = vector.extract_strided_slice %get3A_18 {offsets = [0, 0], sizes = [1, 128], strides = [1, 1]} : vector<8x128xf32> to vector<1x128xf32>
    %mul3A_37 = vector.broadcast %slice3A_15 : vector<1000x1xf32> to vector<1000x128xf32>
    %mul3A_38 = vector.broadcast %slice3A_36 : vector<1x128xf32> to vector<1000x128xf32>
    %mul3A_39 = arith.mulf %mul3A_37, %mul3A_38 : vector<1000x128xf32>
    %add3A_40 = arith.addf %add3A_35, %mul3A_39 : vector<1000x128xf32>
    %slice3A_41 = vector.extract_strided_slice %get3A_18 {offsets = [1, 0], sizes = [1, 128], strides = [1, 1]} : vector<8x128xf32> to vector<1x128xf32>
    %mul3A_42 = vector.broadcast %slice3A : vector<1000x1xf32> to vector<1000x128xf32>
    %mul3A_43 = vector.broadcast %slice3A_41 : vector<1x128xf32> to vector<1000x128xf32>
    %mul3A_44 = arith.mulf %mul3A_42, %mul3A_43 : vector<1000x128xf32>
    %add3A_45 = arith.addf %add3A_40, %mul3A_44 : vector<1000x128xf32>
    %slice3A_46 = vector.extract_strided_slice %get3A_18 {offsets = [2, 0], sizes = [1, 128], strides = [1, 1]} : vector<8x128xf32> to vector<1x128xf32>
    %add3A_47 = vector.broadcast %slice3A_46 : vector<1x128xf32> to vector<1000x128xf32>
    %add3A_48 = arith.addf %add3A_45, %add3A_47 : vector<1000x128xf32>
    %max3A = arith.constant 0.000000e+00 : f32
    %max3A_49 = vector.broadcast %max3A : f32 to vector<1000x128xf32>
    %max3A_50 = arith.maximumf %add3A_48, %max3A_49 : vector<1000x128xf32>
    %add3A_51 = arith.addf %get3A_1, %max3A_50 : vector<1000x128xf32>
    %swap3A = arith.constant 0 : index
    %swap3A_52 = arith.constant 0 : index
    %swap3A_53 = vector.load %arg11[%swap3A, %swap3A_52] : memref<1000x128xf32, #tpu.memory_space<vmem>>, vector<1000x128xf32>
    tpu.vector_store %arg11[%swap3A, %swap3A_52], %add3A_51 {strides = array<i32>} : memref<1000x128xf32, #tpu.memory_space<vmem>>, vector<1000x128xf32>,
    %get3A_54 = arith.constant 0 : index
    %get3A_55 = arith.constant 0 : index
    %get3A_56 = vector.load %arg10[%get3A_54, %get3A_55] : memref<128x128xf32, #tpu.memory_space<vmem>>, vector<128x128xf32>
    %dot_general3A_57 = arith.constant dense<0.000000e+00> : vector<1000x128xf32>
    %dot_general3A_58 = tpu.matmul %add3A_51, %get3A_56, %dot_general3A_57 {dimension_numbers = #tpu.dot_dimension_numbers<[1], [0], [0], [1], [0, 0, 1, 1], [], []>, transpose_lhs_hint = false} : vector<1000x128xf32>, vector<128x128xf32>, vector<1000x128xf32> -> vector<1000x128xf32>
    %swap3A_59 = arith.constant 0 : index
    %swap3A_60 = arith.constant 0 : index
    %swap3A_61 = vector.load %arg12[%swap3A_59, %swap3A_60] : memref<1000x128xf32, #tpu.memory_space<vmem>>, vector<1000x128xf32>
    tpu.vector_store %arg12[%swap3A_59, %swap3A_60], %dot_general3A_58 {strides = array<i32>} : memref<1000x128xf32, #tpu.memory_space<vmem>>, vector<1000x128xf32>,
    return
  }
  func.func @transform_0(%arg0: i32) -> (i32, i32) {
    %c0_i32 = arith.constant 0 : i32
    %c0_i32_0 = arith.constant 0 : i32
    return %arg0, %c0_i32 : i32, i32
  }
  func.func @transform_1(%arg0: i32) -> (i32, i32) {
    %c0_i32 = arith.constant 0 : i32
    %c0_i32_0 = arith.constant 0 : i32
    return %arg0, %c0_i32 : i32, i32
  }
  func.func @transform_2(%arg0: i32) -> (i32, i32) {
    %c0_i32 = arith.constant 0 : i32
    %c0_i32_0 = arith.constant 0 : i32
    return %arg0, %c0_i32 : i32, i32
  }
  func.func @transform_3(%arg0: i32) -> (i32, i32) {
    %c0_i32 = arith.constant 0 : i32
    %c0_i32_0 = arith.constant 0 : i32
    return %arg0, %c0_i32 : i32, i32
  }
  func.func @transform_4(%arg0: i32) -> (i32, i32) {
    %c0_i32 = arith.constant 0 : i32
    %c0_i32_0 = arith.constant 0 : i32
    return %arg0, %c0_i32 : i32, i32
  }
  func.func @transform_5(%arg0: i32) -> (i32, i32) {
    %c0_i32 = arith.constant 0 : i32
    %c0_i32_0 = arith.constant 0 : i32
    %c0_i32_1 = arith.constant 0 : i32
    return %c0_i32, %c0_i32_0 : i32, i32
  }
  func.func @transform_6(%arg0: i32) -> (i32, i32) {
    %c0_i32 = arith.constant 0 : i32
    %c0_i32_0 = arith.constant 0 : i32
    %c0_i32_1 = arith.constant 0 : i32
    return %c0_i32, %c0_i32_0 : i32, i32
  }
  func.func @transform_7(%arg0: i32) -> (i32, i32) {
    %c0_i32 = arith.constant 0 : i32
    %c0_i32_0 = arith.constant 0 : i32
    %c0_i32_1 = arith.constant 0 : i32
    return %c0_i32, %c0_i32_0 : i32, i32
  }
  func.func @transform_8(%arg0: i32) -> (i32, i32) {
    %c0_i32 = arith.constant 0 : i32
    %c0_i32_0 = arith.constant 0 : i32
    %c0_i32_1 = arith.constant 0 : i32
    return %c0_i32, %c0_i32_0 : i32, i32
  }
  func.func @transform_9(%arg0: i32) -> (i32, i32) {
    %c0_i32 = arith.constant 0 : i32
    %c0_i32_0 = arith.constant 0 : i32
    %c0_i32_1 = arith.constant 0 : i32
    return %c0_i32, %c0_i32_0 : i32, i32
  }
  func.func @transform_10(%arg0: i32) -> (i32, i32) {
    %c0_i32 = arith.constant 0 : i32
    %c0_i32_0 = arith.constant 0 : i32
    return %arg0, %c0_i32 : i32, i32
  }
  func.func @transform_11(%arg0: i32) -> (i32, i32) {
    %c0_i32 = arith.constant 0 : i32
    %c0_i32_0 = arith.constant 0 : i32
    return %arg0, %c0_i32 : i32, i32
  }
}

module attributes {stable_mosaic.version = 14 : i64} {
  func.func @_update_body(%arg0: i32, %arg1: memref<1000x128xf32, #tpu.memory_space<vmem>>, %arg2: memref<1000x128xf32, #tpu.memory_space<vmem>>, %arg3: memref<1000x128xf32, #tpu.memory_space<vmem>>, %arg4: memref<1000x8xf32, #tpu.memory_space<vmem>>, %arg5: memref<1000x8xf32, #tpu.memory_space<vmem>>, %arg6: memref<128x128xf32, #tpu.memory_space<vmem>>, %arg7: memref<128x128xf32, #tpu.memory_space<vmem>>, %arg8: memref<128x128xf32, #tpu.memory_space<vmem>>, %arg9: memref<8x128xf32, #tpu.memory_space<vmem>>, %arg10: memref<128x128xf32, #tpu.memory_space<vmem>>, %arg11: memref<1000x128xf32, #tpu.memory_space<vmem>>, %arg12: memref<1000x128xf32, #tpu.memory_space<vmem>>) attributes {dimension_semantics = [#tpu.dimension_semantics<arbitrary>], iteration_bounds = array<i64: 10>, scalar_prefetch = 0 : i64, scratch_operands = 0 : i64, tpu.core_type = #tpu.core_type<tc>, window_params = [{transform_indices = @transform_0, window_bounds = array<i64: 1000, 128>}, {transform_indices = @transform_1, window_bounds = array<i64: 1000, 128>}, {transform_indices = @transform_2, window_bounds = array<i64: 1000, 128>}, {transform_indices = @transform_3, window_bounds = array<i64: 1000, 8>}, {transform_indices = @transform_4, window_bounds = array<i64: 1000, 8>}, {pipeline_mode = #tpu.pipeline_mode<synchronous>, transform_indices = @transform_5, window_bounds = array<i64: 128, 128>}, {pipeline_mode = #tpu.pipeline_mode<synchronous>, transform_indices = @transform_6, window_bounds = array<i64: 128, 128>}, {pipeline_mode = #tpu.pipeline_mode<synchronous>, transform_indices = @transform_7, window_bounds = array<i64: 128, 128>}, {pipeline_mode = #tpu.pipeline_mode<synchronous>, transform_indices = @transform_8, window_bounds = array<i64: 8, 128>}, {pipeline_mode = #tpu.pipeline_mode<synchronous>, transform_indices = @transform_9, window_bounds = array<i64: 128, 128>}, {transform_indices = @transform_10, window_bounds = array<i64: 1000, 128>}, {transform_indices = @transform_11, window_bounds = array<i64: 1000, 128>}]} {
    %get3A = arith.constant 0 : index
    %get3A_0 = arith.constant 0 : index
    %get3A_1 = vector.load %arg1[%get3A, %get3A_0] : memref<1000x128xf32, #tpu.memory_space<vmem>>, vector<1000x128xf32>
    %get3A_2 = arith.constant 0 : index
    %get3A_3 = arith.constant 0 : index
    %get3A_4 = vector.load %arg2[%get3A_2, %get3A_3] : memref<1000x128xf32, #tpu.memory_space<vmem>>, vector<1000x128xf32>
    %get3A_5 = arith.constant 0 : index
    %get3A_6 = arith.constant 0 : index
    %get3A_7 = vector.load %arg3[%get3A_5, %get3A_6] : memref<1000x128xf32, #tpu.memory_space<vmem>>, vector<1000x128xf32>
    %add3A = arith.addf %get3A_4, %get3A_7 : vector<1000x128xf32>
    %get3A_8 = arith.constant 0 : index
    %get3A_9 = arith.constant 0 : index
    %get3A_10 = vector.load %arg4[%get3A_8, %get3A_9] : memref<1000x8xf32, #tpu.memory_space<vmem>>, vector<1000x8xf32>
    %get3A_11 = arith.constant 0 : index
    %get3A_12 = arith.constant 0 : index
    %get3A_13 = vector.load %arg5[%get3A_11, %get3A_12] : memref<1000x8xf32, #tpu.memory_space<vmem>>, vector<1000x8xf32>
    %add3A_14 = arith.addf %get3A_10, %get3A_13 : vector<1000x8xf32>
    %slice3A = vector.extract_strided_slice %add3A_14 {offsets = [0, 0], sizes = [1000, 1], strides = [1, 1]} : vector<1000x8xf32> to vector<1000x1xf32>
    %slice3A_15 = vector.extract_strided_slice %add3A_14 {offsets = [0, 1], sizes = [1000, 1], strides = [1, 1]} : vector<1000x8xf32> to vector<1000x1xf32>
    %get3A_16 = arith.constant 0 : index
    %get3A_17 = arith.constant 0 : index
    %get3A_18 = vector.load %arg9[%get3A_16, %get3A_17] : memref<8x128xf32, #tpu.memory_space<vmem>>, vector<8x128xf32>
    %get3A_19 = arith.constant 0 : index
    %get3A_20 = arith.constant 0 : index
    %get3A_21 = vector.load %arg6[%get3A_19, %get3A_20] : memref<128x128xf32, #tpu.memory_space<vmem>>, vector<128x128xf32>
    %dot_general3A = arith.constant dense<0.000000e+00> : vector<1000x128xf32>
    %dot_general3A_22 = tpu.matmul %get3A_1, %get3A_21, %dot_general3A {dimension_numbers = #tpu.dot_dimension_numbers<[1], [0], [0], [1], [0, 0, 1, 1], [], []>, transpose_lhs_hint = false} : vector<1000x128xf32>, vector<128x128xf32>, vector<1000x128xf32> -> vector<1000x128xf32>
    %get3A_23 = arith.constant 0 : index
    %get3A_24 = arith.constant 0 : index
    %get3A_25 = vector.load %arg7[%get3A_23, %get3A_24] : memref<128x128xf32, #tpu.memory_space<vmem>>, vector<128x128xf32>
    %dot_general3A_26 = arith.constant dense<0.000000e+00> : vector<1000x128xf32>
    %dot_general3A_27 = tpu.matmul %add3A, %get3A_25, %dot_general3A_26 {dimension_numbers = #tpu.dot_dimension_numbers<[1], [0], [0], [1], [0, 0, 1, 1], [], []>, transpose_lhs_hint = false} : vector<1000x128xf32>, vector<128x128xf32>, vector<1000x128xf32> -> vector<1000x128xf32>
    %add3A_28 = arith.addf %dot_general3A_22, %dot_general3A_27 : vector<1000x128xf32>
    %get3A_29 = arith.constant 0 : index
    %get3A_30 = arith.constant 0 : index
    %get3A_31 = vector.load %arg8[%get3A_29, %get3A_30] : memref<128x128xf32, #tpu.memory_space<vmem>>, vector<128x128xf32>
    %dot_general3A_32 = arith.constant dense<0.000000e+00> : vector<1000x128xf32>
    %dot_general3A_33 = tpu.matmul %get3A_1, %get3A_31, %dot_general3A_32 {dimension_numbers = #tpu.dot_dimension_numbers<[1], [0], [0], [1], [0, 0, 1, 1], [], []>, transpose_lhs_hint = false} : vector<1000x128xf32>, vector<128x128xf32>, vector<1000x128xf32> -> vector<1000x128xf32>
    %mul3A = vector.broadcast %slice3A : vector<1000x1xf32> to vector<1000x128xf32>
    %mul3A_34 = arith.mulf %mul3A, %dot_general3A_33 : vector<1000x128xf32>
    %add3A_35 = arith.addf %add3A_28, %mul3A_34 : vector<1000x128xf32>
    %slice3A_36 = vector.extract_strided_slice %get3A_18 {offsets = [0, 0], sizes = [1, 128], strides = [1, 1]} : vector<8x128xf32> to vector<1x128xf32>
    %mul3A_37 = vector.broadcast %slice3A_15 : vector<1000x1xf32> to vector<1000x128xf32>
    %mul3A_38 = vector.broadcast %slice3A_36 : vector<1x128xf32> to vector<1000x128xf32>
    %mul3A_39 = arith.mulf %mul3A_37, %mul3A_38 : vector<1000x128xf32>
    %add3A_40 = arith.addf %add3A_35, %mul3A_39 : vector<1000x128xf32>
    %slice3A_41 = vector.extract_strided_slice %get3A_18 {offsets = [1, 0], sizes = [1, 128], strides = [1, 1]} : vector<8x128xf32> to vector<1x128xf32>
    %mul3A_42 = vector.broadcast %slice3A : vector<1000x1xf32> to vector<1000x128xf32>
    %mul3A_43 = vector.broadcast %slice3A_41 : vector<1x128xf32> to vector<1000x128xf32>
    %mul3A_44 = arith.mulf %mul3A_42, %mul3A_43 : vector<1000x128xf32>
    %add3A_45 = arith.addf %add3A_40, %mul3A_44 : vector<1000x128xf32>
    %slice3A_46 = vector.extract_strided_slice %get3A_18 {offsets = [2, 0], sizes = [1, 128], strides = [1, 1]} : vector<8x128xf32> to vector<1x128xf32>
    %add3A_47 = vector.broadcast %slice3A_46 : vector<1x128xf32> to vector<1000x128xf32>
    %add3A_48 = arith.addf %add3A_45, %add3A_47 : vector<1000x128xf32>
    %max3A = arith.constant 0.000000e+00 : f32
    %max3A_49 = vector.broadcast %max3A : f32 to vector<1000x128xf32>
    %max3A_50 = arith.maximumf %add3A_48, %max3A_49 : vector<1000x128xf32>
    %add3A_51 = arith.addf %get3A_1, %max3A_50 : vector<1000x128xf32>
    %swap3A = arith.constant 0 : index
    %swap3A_52 = arith.constant 0 : index
    %swap3A_53 = vector.load %arg11[%swap3A, %swap3A_52] : memref<1000x128xf32, #tpu.memory_space<vmem>>, vector<1000x128xf32>
    tpu.vector_store %arg11[%swap3A, %swap3A_52], %add3A_51 {strides = array<i32>} : memref<1000x128xf32, #tpu.memory_space<vmem>>, vector<1000x128xf32>,
    %get3A_54 = arith.constant 0 : index
    %get3A_55 = arith.constant 0 : index
    %get3A_56 = vector.load %arg10[%get3A_54, %get3A_55] : memref<128x128xf32, #tpu.memory_space<vmem>>, vector<128x128xf32>
    %dot_general3A_57 = arith.constant dense<0.000000e+00> : vector<1000x128xf32>
    %dot_general3A_58 = tpu.matmul %add3A_51, %get3A_56, %dot_general3A_57 {dimension_numbers = #tpu.dot_dimension_numbers<[1], [0], [0], [1], [0, 0, 1, 1], [], []>, transpose_lhs_hint = false} : vector<1000x128xf32>, vector<128x128xf32>, vector<1000x128xf32> -> vector<1000x128xf32>
    %swap3A_59 = arith.constant 0 : index
    %swap3A_60 = arith.constant 0 : index
    %swap3A_61 = vector.load %arg12[%swap3A_59, %swap3A_60] : memref<1000x128xf32, #tpu.memory_space<vmem>>, vector<1000x128xf32>
    tpu.vector_store %arg12[%swap3A_59, %swap3A_60], %dot_general3A_58 {strides = array<i32>} : memref<1000x128xf32, #tpu.memory_space<vmem>>, vector<1000x128xf32>,
    return
  }
  func.func @transform_0(%arg0: i32) -> (i32, i32) {
    %c0_i32 = arith.constant 0 : i32
    %c0_i32_0 = arith.constant 0 : i32
    return %arg0, %c0_i32 : i32, i32
  }
  func.func @transform_1(%arg0: i32) -> (i32, i32) {
    %c0_i32 = arith.constant 0 : i32
    %c0_i32_0 = arith.constant 0 : i32
    return %arg0, %c0_i32 : i32, i32
  }
  func.func @transform_2(%arg0: i32) -> (i32, i32) {
    %c0_i32 = arith.constant 0 : i32
    %c0_i32_0 = arith.constant 0 : i32
    return %arg0, %c0_i32 : i32, i32
  }
  func.func @transform_3(%arg0: i32) -> (i32, i32) {
    %c0_i32 = arith.constant 0 : i32
    %c0_i32_0 = arith.constant 0 : i32
    return %arg0, %c0_i32 : i32, i32
  }
  func.func @transform_4(%arg0: i32) -> (i32, i32) {
    %c0_i32 = arith.constant 0 : i32
    %c0_i32_0 = arith.constant 0 : i32
    return %arg0, %c0_i32 : i32, i32
  }
  func.func @transform_5(%arg0: i32) -> (i32, i32) {
    %c0_i32 = arith.constant 0 : i32
    %c0_i32_0 = arith.constant 0 : i32
    %c0_i32_1 = arith.constant 0 : i32
    return %c0_i32, %c0_i32_0 : i32, i32
  }
  func.func @transform_6(%arg0: i32) -> (i32, i32) {
    %c0_i32 = arith.constant 0 : i32
    %c0_i32_0 = arith.constant 0 : i32
    %c0_i32_1 = arith.constant 0 : i32
    return %c0_i32, %c0_i32_0 : i32, i32
  }
  func.func @transform_7(%arg0: i32) -> (i32, i32) {
    %c0_i32 = arith.constant 0 : i32
    %c0_i32_0 = arith.constant 0 : i32
    %c0_i32_1 = arith.constant 0 : i32
    return %c0_i32, %c0_i32_0 : i32, i32
  }
  func.func @transform_8(%arg0: i32) -> (i32, i32) {
    %c0_i32 = arith.constant 0 : i32
    %c0_i32_0 = arith.constant 0 : i32
    %c0_i32_1 = arith.constant 0 : i32
    return %c0_i32, %c0_i32_0 : i32, i32
  }
  func.func @transform_9(%arg0: i32) -> (i32, i32) {
    %c0_i32 = arith.constant 0 : i32
    %c0_i32_0 = arith.constant 0 : i32
    %c0_i32_1 = arith.constant 0 : i32
    return %c0_i32, %c0_i32_0 : i32, i32
  }
  func.func @transform_10(%arg0: i32) -> (i32, i32) {
    %c0_i32 = arith.constant 0 : i32
    %c0_i32_0 = arith.constant 0 : i32
    return %arg0, %c0_i32 : i32, i32
  }
  func.func @transform_11(%arg0: i32) -> (i32, i32) {
    %c0_i32 = arith.constant 0 : i32
    %c0_i32_0 = arith.constant 0 : i32
    return %arg0, %c0_i32 : i32, i32
  }
}

module attributes {stable_mosaic.version = 14 : i64} {
  func.func @_pool_body(%arg0: i32, %arg1: memref<1000x128xf32, #tpu.memory_space<vmem>>, %arg2: memref<1000x1xi32, #tpu.memory_space<vmem>>, %arg3: memref<8x128xf32, #tpu.memory_space<vmem>>, %arg4: memref<64x1xf32, #tpu.memory_space<vmem>>, %arg5: memref<64x128xf32, #tpu.memory_space<vmem>>) attributes {dimension_semantics = [#tpu.dimension_semantics<arbitrary>], iteration_bounds = array<i64: 10>, scalar_prefetch = 0 : i64, scratch_operands = 1 : i64, tpu.core_type = #tpu.core_type<tc>, window_params = [{transform_indices = @transform_0, window_bounds = array<i64: 1000, 128>}, {transform_indices = @transform_1, window_bounds = array<i64: 1000, 1>}, {pipeline_mode = #tpu.pipeline_mode<synchronous>, transform_indices = @transform_2, window_bounds = array<i64: 8, 128>}, {pipeline_mode = #tpu.pipeline_mode<synchronous>, transform_indices = @transform_3, window_bounds = array<i64: 64, 1>}]} {
    %eq3A = arith.constant 0 : i32
    %eq3A_0 = arith.cmpi eq, %arg0, %eq3A : i32
    %convert_element_type3A = arith.extui %eq3A_0 : i1 to i32
    %cond3A = arith.constant 0 : i32
    %cond3A_1 = arith.cmpi ne, %convert_element_type3A, %cond3A : i32
    scf.if %cond3A_1 {
      %broadcast_in_dim3A = arith.constant 0.000000e+00 : f32
      %broadcast_in_dim3A_22 = vector.broadcast %broadcast_in_dim3A : f32 to vector<64x128xf32>
      %swap3A_23 = arith.constant 0 : index
      %swap3A_24 = arith.constant 0 : index
      %swap3A_25 = vector.load %arg5[%swap3A_23, %swap3A_24] : memref<64x128xf32, #tpu.memory_space<vmem>>, vector<64x128xf32>
      tpu.vector_store %arg5[%swap3A_23, %swap3A_24], %broadcast_in_dim3A_22 {strides = array<i32>} : memref<64x128xf32, #tpu.memory_space<vmem>>, vector<64x128xf32>,
    } else {
    }
    %get3A = arith.constant 0 : index
    %get3A_2 = arith.constant 0 : index
    %get3A_3 = vector.load %arg2[%get3A, %get3A_2] : memref<1000x1xi32, #tpu.memory_space<vmem>>, vector<1000x1xi32>
    %iota3A = tpu.iota {dimensions = array<i32: 1>} : vector<1000x64xi32>
    %eq3A_4 = vector.broadcast %get3A_3 : vector<1000x1xi32> to vector<1000x64xi32>
    %eq3A_5 = arith.cmpi eq, %eq3A_4, %iota3A : vector<1000x64xi32>
    %convert_element_type3A_6 = arith.extui %eq3A_5 : vector<1000x64xi1> to vector<1000x64xi32>
    %convert_element_type3A_7 = arith.sitofp %convert_element_type3A_6 : vector<1000x64xi32> to vector<1000x64xf32>
    %get3A_8 = arith.constant 0 : index
    %get3A_9 = arith.constant 0 : index
    %get3A_10 = vector.load %arg5[%get3A_8, %get3A_9] : memref<64x128xf32, #tpu.memory_space<vmem>>, vector<64x128xf32>
    %get3A_11 = arith.constant 0 : index
    %get3A_12 = arith.constant 0 : index
    %get3A_13 = vector.load %arg1[%get3A_11, %get3A_12] : memref<1000x128xf32, #tpu.memory_space<vmem>>, vector<1000x128xf32>
    %dot_general3A = arith.constant dense<0.000000e+00> : vector<64x128xf32>
    %dot_general3A_14 = tpu.matmul %convert_element_type3A_7, %get3A_13, %dot_general3A {dimension_numbers = #tpu.dot_dimension_numbers<[0], [0], [1], [1], [0, 1, 1, 1], [], []>, transpose_lhs_hint = false} : vector<1000x64xf32>, vector<1000x128xf32>, vector<64x128xf32> -> vector<64x128xf32>
    %add3A = arith.addf %get3A_10, %dot_general3A_14 : vector<64x128xf32>
    %swap3A = arith.constant 0 : index
    %swap3A_15 = arith.constant 0 : index
    %swap3A_16 = vector.load %arg5[%swap3A, %swap3A_15] : memref<64x128xf32, #tpu.memory_space<vmem>>, vector<64x128xf32>
    tpu.vector_store %arg5[%swap3A, %swap3A_15], %add3A {strides = array<i32>} : memref<64x128xf32, #tpu.memory_space<vmem>>, vector<64x128xf32>,
    %eq3A_17 = arith.constant 9 : i32
    %eq3A_18 = arith.cmpi eq, %arg0, %eq3A_17 : i32
    %convert_element_type3A_19 = arith.extui %eq3A_18 : i1 to i32
    %cond3A_20 = arith.constant 0 : i32
    %cond3A_21 = arith.cmpi ne, %convert_element_type3A_19, %cond3A_20 : i32
    scf.if %cond3A_21 {
      %get3A_22 = arith.constant 0 : index
      %get3A_23 = arith.constant 0 : index
      %get3A_24 = vector.load %arg5[%get3A_22, %get3A_23] : memref<64x128xf32, #tpu.memory_space<vmem>>, vector<64x128xf32>
      %get3A_25 = arith.constant 0 : index
      %get3A_26 = arith.constant 0 : index
      %get3A_27 = vector.load %arg3[%get3A_25, %get3A_26] : memref<8x128xf32, #tpu.memory_space<vmem>>, vector<1x128xf32>
      %mul3A = vector.broadcast %get3A_27 : vector<1x128xf32> to vector<64x128xf32>
      %mul3A_28 = arith.mulf %get3A_24, %mul3A : vector<64x128xf32>
      %reduce_sum3A = arith.constant dense<0.000000e+00> : vector<64xf32>
      %reduce_sum3A_29 = vector.multi_reduction <add>, %mul3A_28, %reduce_sum3A [1] : vector<64x128xf32> to vector<64xf32>
      %broadcast_in_dim3A = vector.shape_cast %reduce_sum3A_29 : vector<64xf32> to vector<64x1xf32>
      %get3A_30 = arith.constant 1 : index
      %get3A_31 = arith.constant 0 : index
      %get3A_32 = vector.load %arg3[%get3A_30, %get3A_31] : memref<8x128xf32, #tpu.memory_space<vmem>>, vector<1x1xf32>
      %add3A_33 = vector.broadcast %get3A_32 : vector<1x1xf32> to vector<64x1xf32>
      %add3A_34 = arith.addf %broadcast_in_dim3A, %add3A_33 : vector<64x1xf32>
      %swap3A_35 = arith.constant 0 : index
      %swap3A_36 = arith.constant 0 : index
      %swap3A_37 = vector.load %arg4[%swap3A_35, %swap3A_36] : memref<64x1xf32, #tpu.memory_space<vmem>>, vector<64x1xf32>
      tpu.vector_store %arg4[%swap3A_35, %swap3A_36], %add3A_34 {strides = array<i32>} : memref<64x1xf32, #tpu.memory_space<vmem>>, vector<64x1xf32>,
    } else {
    }
    return
  }
  func.func @transform_0(%arg0: i32) -> (i32, i32) {
    %c0_i32 = arith.constant 0 : i32
    %c0_i32_0 = arith.constant 0 : i32
    return %arg0, %c0_i32 : i32, i32
  }
  func.func @transform_1(%arg0: i32) -> (i32, i32) {
    %c0_i32 = arith.constant 0 : i32
    %c0_i32_0 = arith.constant 0 : i32
    return %arg0, %c0_i32 : i32, i32
  }
  func.func @transform_2(%arg0: i32) -> (i32, i32) {
    %c0_i32 = arith.constant 0 : i32
    %c0_i32_0 = arith.constant 0 : i32
    %c0_i32_1 = arith.constant 0 : i32
    return %c0_i32, %c0_i32_0 : i32, i32
  }
  func.func @transform_3(%arg0: i32) -> (i32, i32) {
    %c0_i32 = arith.constant 0 : i32
    %c0_i32_0 = arith.constant 0 : i32
    %c0_i32_1 = arith.constant 0 : i32
    return %c0_i32, %c0_i32_0 : i32, i32
  }
}

</mosaic_0001>

<sc_bundles>
// kernel: kernel.12.cloned.1.call-start
scs
__scs_entry_jumppad:
0x0: {  	(pc) =	sbr.rel $0x88, $3  }
0x1: {  	(tag) =	ssettag $0x0;
	lr =	simm.s32 $0x1  }
0x2: {  	[smem:$0x3F93] =	sst lr;
	_ =	strace $0xD0000000  }
0x3: {  	_ = 	snop  }
0x4: {  	_ = 	snop  }
0x5: {  	_ = 	snop  }
0x6: {  	_ = 	snop  }
0x7: {  	_ = 	snop  }
__scs_overlays_trampoline_lowered:
0x8: {  	[smem:$0x3FA2] =	sst s0  }
0x9: {  	[smem:$0x3FA3] =	sst s1  }
0xa: {  	[smem:$0x3FA4] =	sst s2  }
0xb: {  	[smem:$0x3FA5] =	sst s3  }
0xc: {  	[smem:$0x3FA6] =	sst s4  }
0xd: {  	[smem:$0x3FA7] =	sst s5  }
0xe: {  	[smem:$0x3FA8] =	sst s6  }
0xf: {  	[smem:$0x3FA9] =	sst s7  }
0x10: {  	[smem:$0x3FAA] =	sst s8  }
0x11: {  	[smem:$0x3FAB] =	sst s9;
	s0 =	simm.s32 @!p0 $0x0  }
0x12: {  	s1 =	sld [smem:$0x3F91];
	s0 =	simm.s32 @p0 $0x1  }
0x13: {  	[smem:$0x3FAC] =	sst s0;
	s0 =	simm.s32 @!p1 $0x0  }
0x14: {  	s2 =	sld [smem:$0x3F90];
	s0 =	simm.s32 @p1 $0x1  }
0x15: {  	[smem:$0x3FAD] =	sst s0;
	s0 =	simm.s32 @!p2 $0x0  }
0x16: {  	s3 =	sld [smem:$0x3FDB];
	s0 =	simm.s32 @p2 $0x1  }
0x17: {  	s4 =	simm.s32 $0x1BF5;
	[smem:$0x3FAF] =	sst s0  }
0x18: {  	s0 =	sld [smem:$0x3F92];
	_ =	swait.ge [sflag:s4], $0x0  }
0x19: {  	s7 =	sld [smem:$0x3F93]  }
0x1a: {  	s8 =	sadd.s32 $0xFFFFE003, lr  }
0x1b: {  	s9 =	sadd.s32 $0xFFFFFEF7, lr;
	s5 =	simm.s32 $0xFFFFFFFF;
	p2 =	slt.u32 s8, $0xFFFFF086  }
0x1c: {  	p1 =	slt.u32 s9, $0xF7A;
	s5 =	simm.s32 @!p2 $0x0  }
0x1d: {  	s5 =	simm.s32 @p1 $0x1;
	p0 =	seq.s32 s7, s2  }
0x1e: {  	s7 =	smul.u32 @!p0 $0xF7A, s2;
	p2 =	seq.s32 @!p0 s5, $0x0  }
0x1f: {  	s9 =	smul.u32 $0xF7A, s1;
	s8 =	simm.s32 @!p0 $0x1BF5;
	p2 =	por !p2, p0  }
0x20: {  	[sflag:s8] =	ssyncset.s32 @!p0 $0xFFFFF086;
	s6 =	sadd.s32 @!p0 s3, s7;
	s7 =	simm.s32 @!p0 $0x108  }
0x21: {  	s3 =	sadd.s32 s3, s9;
	s6 =	sadd.s32 @!p0 $0x88, s6;
	s7 =	simm.s32 @p2 $0x1082  }
0x22: {  	[simem:s7], [sflag:s8] =	dma.local @!p0 [hbm:s6], $0xF7A  }
0x23: {  	s9 =	sor.u32 $0xD0000000, s2;
	s6 =	simm.s32 $0x108;
	_ =	swait.ge @!p0 [sflag:s8], $0x0  }
0x24: {  	s3 =	sadd.s32 $0x88, s3;
	s6 =	simm.s32 @!p1 $0x1082;
	[sflag:s4] =	ssyncset.s32 $0xFFFFF086  }
0x25: {  	[simem:s6], [sflag:s4] =	dma.local [hbm:s3], $0xF7A  }
0x26: {  	[smem:$0x3F93] =	sst s1;
	(tag) =	ssettag s2;
	_ =	strace s9  }
0x27: {  	s1 =	sld [smem:$0x3FA3]  }
0x28: {  	s2 =	sld [smem:$0x3FA4]  }
0x29: {  	s4 =	sld [smem:$0x3FA6]  }
0x2a: {  	p0 =	seq.s32 s5, $0x0;
	s5 =	sld [smem:$0x3FA7]  }
0x2b: {  	s6 =	sld [smem:$0x3FA8]  }
0x2c: {  	s7 =	sld [smem:$0x3FA9]  }
0x2d: {  	s3 =	simm.s32 $0x108;
	s8 =	sld [smem:$0x3FAA]  }
0x2e: {  	s3 =	simm.s32 @!p0 $0x1082;
	s9 =	sld [smem:$0x3FAB]  }
0x2f: {  	lr =	sadd.s32 s0, s3;
	s0 =	sld [smem:$0x3FA2]  }
0x30: {  	s3 =	sld [smem:$0x3FA5]  }
0x31: {  	[smem:$0x3FAE] =	sst s10  }
0x32: {  	s10 =	sld [smem:$0x3FAC];
	_ =	sdelay $0x3  }
0x33: {  	p0 =	seq.s32 s10, $0x1;
	s10 =	sld [smem:$0x3FAE];
	_ =	sdelay $0x3  }
0x34: {  	[smem:$0x3FAE] =	sst s10  }
0x35: {  	s10 =	sld [smem:$0x3FAD];
	_ =	sdelay $0x3  }
0x36: {  	p1 =	seq.s32 s10, $0x1;
	s10 =	sld [smem:$0x3FAE];
	_ =	sdelay $0x3  }
0x37: {  	[smem:$0x3FAE] =	sst s10  }
0x38: {  	s10 =	sld [smem:$0x3FAF]  }
0x39: {  	_ = 	snop;
	(pc) =	sbr.ind lr, $3  }
0x3a: {  	_ = 	snop  }
0x3b: {  	_ = 	snop  }
0x3c: {  	p2 =	seq.s32 s10, $0x1;
	s10 =	sld [smem:$0x3FAE]  }
0x3d: {  	_ =	shalt  }
0x3e: {  	_ =	shalt  }
0x3f: {  	_ =	shalt  }
0x40: {  	_ =	shalt  }
0x41: {  	_ =	shalt  }
0x42: {  	_ =	shalt  }
0x43: {  	_ =	shalt  }
0x44: {  	_ =	shalt  }
0x45: {  	_ =	shalt  }
0x46: {  	_ =	shalt  }
0x47: {  	_ =	shalt  }
0x48: {  	_ =	shalt  }
0x49: {  	_ =	shalt  }
0x4a: {  	_ =	shalt  }
0x4b: {  	_ =	shalt  }
0x4c: {  	_ =	shalt  }
0x4d: {  	_ =	shalt  }
0x4e: {  	_ =	shalt  }
0x4f: {  	_ =	shalt  }
0x50: {  	_ =	shalt  }
0x51: {  	_ =	shalt  }
0x52: {  	_ =	shalt  }
0x53: {  	_ =	shalt  }
0x54: {  	_ =	shalt  }
0x55: {  	_ =	shalt  }
0x56: {  	_ =	shalt  }
0x57: {  	_ =	shalt  }
0x58: {  	_ =	shalt  }
0x59: {  	_ =	shalt  }
0x5a: {  	_ =	shalt  }
0x5b: {  	_ =	shalt  }
0x5c: {  	_ =	shalt  }
0x5d: {  	_ =	shalt  }
0x5e: {  	_ =	shalt  }
0x5f: {  	_ =	shalt  }
0x60: {  	_ =	shalt  }
0x61: {  	_ =	shalt  }
0x62: {  	_ =	shalt  }
0x63: {  	_ =	shalt  }
0x64: {  	_ =	shalt  }
0x65: {  	_ =	shalt  }
0x66: {  	_ =	shalt  }
0x67: {  	_ =	shalt  }
0x68: {  	_ =	shalt  }
0x69: {  	_ =	shalt  }
0x6a: {  	_ =	shalt  }
0x6b: {  	_ =	shalt  }
0x6c: {  	_ =	shalt  }
0x6d: {  	_ =	shalt  }
0x6e: {  	_ =	shalt  }
0x6f: {  	_ =	shalt  }
0x70: {  	_ =	shalt  }
0x71: {  	_ =	shalt  }
0x72: {  	_ =	shalt  }
0x73: {  	_ =	shalt  }
0x74: {  	_ =	shalt  }
0x75: {  	_ =	shalt  }
0x76: {  	_ =	shalt  }
0x77: {  	_ =	shalt  }
0x78: {  	_ =	shalt  }
0x79: {  	_ =	shalt  }
0x7a: {  	_ =	shalt  }
0x7b: {  	_ =	shalt  }
0x7c: {  	_ =	shalt  }
0x7d: {  	_ =	shalt  }
0x7e: {  	_ =	shalt  }
0x7f: {  	_ =	shalt  }
0x80: {  	_ =	shalt  }
0x81: {  	_ =	shalt  }
0x82: {  	_ =	shalt  }
0x83: {  	_ =	shalt  }
0x84: {  	_ =	shalt  }
0x85: {  	_ =	shalt  }
0x86: {  	_ =	shalt  }
0x87: {  	_ =	shalt  }
.Lfunc_end0:
.L_simem_size_0:
called_computation_lowered:
.L_overlay_start_0:
0x88: {  	s2 =	sld [smem:$0x3FD9]  }
0x89: {  	s3 =	sld [smem:$0x3FFE];
	_ =	sdelay $0x1  }
0x8a: {  	s1 =	srdreg.scid  }
0x8b: {  	s0 =	sand.u32 $0x1, s1  }
0x8c: {  	s17 =	sshll.u32 s0, $0xA;
	s2 =	sadd.s32 s3, s2  }
0x8d: {  	s2 =	sadd.s32 s2, s17  }
0x8e: {  	[smem:$0x3FBA] =	sst s2  }
0x8f: {  	_ = 	snop  }
0x90: {  	(tm) =	ssettm $0x1  }
0x91: {  	s18 =	sld [smem:$0x3FFB];
	_ =	sdelay $0x3  }
0x92: {  	_ =	strace s18  }
0x93: {  	s2 =	sld [smem:$0x3FFC];
	_ =	sdelay $0x3  }
0x94: {  	_ =	strace s2  }
0x95: {  	s2 =	sld [smem:$0x3FFD];
	_ =	sdelay $0x3  }
0x96: {  	_ =	strace s2  }
0x97: {  	_ =	strace $0x8FFFFFFF  }
0x98: {  	s19 =	sld [smem:$0x3FDB];
	_ =	sdelay $0x1  }
0x99: {  	s20 =	simm.s32 $_scs_section_size  }
0x9a: {  	s4 =	simm.s32 $_size__tile_overlayer_lowered;
	s5 =	simm.s32 $_tile_overlayer_lowered  }
0x9b: {  	s6 =	simm.s32 $0x1BFF;
	s21 =	sshll.u32 s5, $0x1;
	s3 =	sadd.s32 s20, s19  }
0x9c: {  	s22 =	simm.s32 $0x0;
	s4 =	sshll.u32 s4, $0x1;
	s5 =	sadd.s32 s21, s3  }
0x9d: {  	[timem:s22], [sflag:s6] =	dma.local [hbm:s5], s4  }
0x9e: {  	_ =	swait.ge [sflag:s6], s4  }
0x9f: {  	s4 =	ssub.s32 $0x0, s4;
	[sflag:s6] =	ssyncset.done $0x0  }
0xa0: {  	[sflag:s6] =	ssyncadd.s32 s4;
	_ =	sdelay $0x1  }
0xa1: {  	s23 =	simm.s32 $0x1B8B  }
0xa2: {  	_ =	swait.ge [sflag:s23], $0x1  }
0xa3: {  	[sflag:s23] =	ssyncset.done $0x0  }
0xa4: {  	[sflag:s23] =	ssyncadd.s32 $0xFFFFFFFF  }
0xa5: {  	s4 =	sld [smem:$0x0]  }
0xa6: {  	s5 =	sand.u32 $0xFFFFFFFE, s1  }
0xa7: {  	p0 =	sne.s32 s1, s5  }
0xa8: {  	s5 =	sshll.u32 @p0 s5, $0xE  }
0xa9: {  	s5 =	sadd.s32 @p0 $0x11B8D, s5;
	s6 =	sshll.u32 @p0 s4, $0x11  }
0xaa: {  	s5 =	sor.u32 @p0 s6, s5  }
0xab: {  	[sflag:s5] =	ssyncadd.remote.s32 @p0 $0x1;
	_ =	sdelay $0x1  }
0xac: {  	s5 =	simm.s32 @p0 $0x1B8D  }
0xad: {  	_ =	swait.eq @p0 [sflag:s5], $0x1  }
0xae: {  	[sflag:s5] =	ssyncadd.s32 @p0 $0xFFFFFFFF  }
0xaf: {  	s6 =	sshll.u32 @!p0 s1, $0xE  }
0xb0: {  	s6 =	sor.u32 @!p0 $0x4000, s6;
	s5 =	simm.s32 @!p0 $0x1B8D  }
0xb1: {  	s4 =	sshll.u32 @!p0 s4, $0x11;
	s6 =	sadd.s32 @!p0 $0x11B8D, s6;
	_ =	swait.eq @!p0 [sflag:s5], $0x1  }
0xb2: {  	s4 =	sor.u32 @!p0 s4, s6;
	[sflag:s5] =	ssyncadd.s32 @!p0 $0xFFFFFFFF  }
0xb3: {  	s25 =	simm.s32 $0x1B8E;
	s24 =	sld [smem:$0x3FFE];
	[sflag:s4] =	ssyncadd.remote.s32 @!p0 $0x1  }
0xb4: {  	s26 =	simm.s32 $execute0_lowered;
	[smem:$0x3FD2] =	sst s25  }
0xb5: {  	s5 =	sshll.u32 s26, $0x1;
	_ =	strace $0x80000049;
	[dreg:$0x1] =	wrdreg $0xFFFFFFFF  }
0xb6: {  	s28 =	simm.s32 $_size_execute0_lowered;
	s3 =	sadd.s32 s3, s5;
	[dreg:$0x0] =	wrdreg $0x0  }
0xb7: {  	s5 =	sshll.u32 s28, $0x1;
	[dreg:$0x2] =	wrdreg s3  }
0xb8: {  	[dreg:$0x3] =	wrdreg s5  }
0xb9: {  	[dreg:$0x4] =	wrdreg $0xC0  }
0xba: {  	_ =	task [dreg:s22], $0x5FFFF  }
0xbb: {  	[dreg:$0x1] =	wrdreg $0xFFFFFFFF  }
0xbc: {  	[dreg:$0x0] =	wrdreg $0x60  }
0xbd: {  	[dreg:$0x2] =	wrdreg s24  }
0xbe: {  	[dreg:$0x3] =	wrdreg $0x68000  }
0xbf: {  	[dreg:$0x4] =	wrdreg $0x9  }
0xc0: {  	_ =	task.clear_ibuf [dreg:s22], $0x5FFFF;
	_ =	strace $0x90000049  }
0xc1: {  	s29 =	simm.s32 $0x9;
	_ =	strace $0x8000004B  }
0xc2: {  	_ =	swait.ge [sflag:s29], $0x1  }
0xc3: {  	[sflag:s29] =	ssyncadd.s32 $0xFFFFFFFF  }
0xc4: {  	_ =	strace $0x9000004B  }
0xc5: {  	_ =	sfence  }
0xc6: {  	s30 =	sld [smem:$0x0];
	_ =	sdelay $0x2  }
0xc7: {  	s31 =	sshll.u32 s1, $0xD;
	s1 =	sshrl.u32 s1, $0x2  }
0xc8: {  	s4 =	sand.u32 $0x4000, s31;
	s1 =	sadd.s32 s1, s30  }
0xc9: {  	s0 =	sor.u32 s4, s0;
	s1 =	sshll.u32 s1, $0x11  }
0xca: {  	s0 =	sor.u32 s1, s0  }
0xcb: {  	s0 =	sadd.s32 $0x8F2B, s0  }
0xcc: {  	[sflag:s0] =	ssyncadd.remote.s32 $0x1  }
0xcd: {  	_ =	sfence.sel $0xFFFF  }
0xce: {  	[dreg:$0x0] =	wrdreg $0xFFFFFFFF;
	(pc) =	sbr.abs _section_cstart, $3  }
0xcf: {  	[dreg:$0x1] =	wrdreg $0xFFFFFFFF  }
0xd0: {  	_ =	task.clear_ibuf [dreg:s22], $0x2FFFF;
	_ =	strace $0x9FFFFFFF  }
0xd1: {  	(tm) =	ssettm $0x7FFFFFFF  }
tec
execute0_lowered:
.L_overlay_start_1:
0x0: {  	(tag) =	ssettag $0x1  }
0x1: {  	s5 =	rddreg [dreg:$0x0]  }
0x2: {  	s0 =	srdreg.scid;
	s2 =	rddreg [dreg:$0x1]  }
0x3: {  	s1 =	rddreg [dreg:$0x2];
	s4 =	sand.u32 $0x1, s0  }
0x4: {  	s0 =	stileid.u32;
	s6 =	smul.u32 $0x140000, s4  }
0x5: {  	s12 =	simm.s32 $0x2800;
	s13 =	simm.s32 $0x80;
	s7 =	smul.u32 $0x280000, s0  }
0x6: {  	s14 =	simm.s32 $0x0;
	s3 =	sshll.u32 s0, $0x1;
	s9 =	smul.u32 $0x14000, s0  }
0x7: {  	s28 =	ssub.s32 $0x2, s4;
	s29 =	smul.u32 $0x50000, s0;
	s31 =	sshll.u32 s0, $0x6  }
0x8: {  	s8 =	sor.u32 s4, s3;
	s3 =	simm.s32 $0x0;
	s4 =	sadd.s32 $0xBAC00, s5  }
0x9: {  	s11 =	sshrl.u32 s28, $0x1;
	s8 =	smul.u32 $0x500, s8;
	s7 =	sadd.s32 s6, s7  }
0xa: {  	[smem:$0x7FF] =	sst s3;
	s6 =	sadd.s32 s9, s6;
	s9 =	sshrl.u32 s29, $0x2  }
0xb: {  	s7 =	sshrl.u32 s7, $0x3;
	_ =	strace $0x8000004A;
	s6 =	sshrl.u32 s6, $0x3  }
0xc: {  	s30 =	sadd.s32 s9, s2;
	s9 =	simm.s32 $0x1;
	s8 =	sadd.s32 s8, s5  }
0xd: {  	s10 =	sadd.s32 s7, s5;
	s6 =	sadd.s32 s6, s5;
	s7 =	ssub.s32 s28, s11  }
0xe: {  	s11 =	sshrl.u32 s30, $0x3;
	s5 =	sadd.s32 $0x5E400, s8;
	s6 =	sadd.s32 $0xBD400, s6  }
0xf: {  	s7 =	smax.u32 s7, $0x1;
	s8 =	sadd.s32 $0x59CE00, s10;
	s10 =	sor.u32 $0x1C01, s31  }
.LBB2_1:
0x10: {  	[tilespmem:s3], [sflag:$0x1] =	stream.linear.gather [hbm4b:s5+s3], $0x2800, $0x38;
	[tilespmem:$0x7C00] =	vst v63  }
0x11: {  	_ =	swait.ge [sflag:s9], $0x2800  }
0x12: {  	[sflag:s9] =	ssyncset.done $0x0  }
0x13: {  	[sflag:s9] =	ssyncadd.s32 $0xFFFFD800  }
0x14: {  	[spmem:s11], [sflag:s10] =	dma.local [hbm:s4], $0x2800  }
0x15: {  	_ =	swait.ge [sflag:s9], $0x2800  }
0x16: {  	[sflag:s9] =	ssyncset.done $0x0  }
0x17: {  	[sflag:s9] =	ssyncadd.s32 $0xFFFFD800  }
0x18: {  	[bflag:$0x0] =	sbarrier.arrive $0xFFFF  }
0x19: {  	[tilespmem:s12], [sflag:$0x1] =	stream.linear.gather [hbm4b:s8+s3], $0x4000, $0x38;
	[tilespmem:$0x7C00] =	vst v63  }
0x1a: {  	_ =	swait.ge [sflag:s9], $0x4000  }
0x1b: {  	[sflag:s9] =	ssyncset.done $0x0  }
0x1c: {  	s15 =	simm.s32 $0x0;
	[sflag:s9] =	ssyncadd.s32 $0xFFFFC000  }
0x1d: {  	[spmem:s2] =	stream.indirect.scatter.add.f32 [tilespmem:s12], [sflag:$0x1], $0x8, s15, s13, $0xb8;
	[tilespmem:$0x7C00] =	vst v63  }
0x1e: {  	_ =	swait.ge [sflag:s9], $0x400  }
0x1f: {  	s16 =	smov.u32 s8;
	s15 =	simm.s32 $0x200;
	[sflag:s9] =	ssyncset.done $0x0  }
.LBB2_2:
0x20: {  	p0 =	sne.s32 s15, $0x9E00;
	[sflag:s9] =	ssyncadd.s32 $0xFFFFFC00;
	s16 =	sadd.s32 $0x800, s16  }
0x21: {  	[tilespmem:s12], [sflag:$0x1] =	stream.linear.gather [hbm4b:s16+s3], $0x4000, $0x38;
	[tilespmem:$0x7C00] =	vst v63  }
0x22: {  	s17 =	smov.u32 s15;
	s15 =	sadd.s32 $0x200, s15;
	_ =	swait.ge [sflag:s9], $0x4000  }
.Ltmp0:
0x23: {  	[sflag:s9] =	ssyncset.done $0x0;
	(pc) =	sbr.rel @p0 .LBB2_2-.Ltmp0, $4  }
0x24: {  	s17 =	sshra.s32 s17, $0x2;
	[sflag:s9] =	ssyncadd.s32 $0xFFFFC000  }
0x25: {  	[spmem:s2] =	stream.indirect.scatter.add.f32 [tilespmem:s12], [sflag:$0x1], $0x8, s17, s13, $0xb8;
	[tilespmem:$0x7C00] =	vst v63  }
0x26: {  	_ =	swait.ge [sflag:s9], $0x400  }
0x27: {  	[sflag:s9] =	ssyncset.done $0x0  }
0x28: {  	s14 =	sadd.s32 $0x1, s14  }
0x29: {  	[sflag:s9] =	ssyncadd.s32 $0xFFFFFC00;
	p0 =	sne.s32 s14, s7  }
.Ltmp1:
0x2a: {  	[bflag:$0x0] =	sbarrier.arrive $0xFFFF;
	(pc) =	sbr.rel @p0 .LBB2_1-.Ltmp1, $4  }
0x2b: {  	[hbm:s6], [sflag:s10] =	dma.local [spmem:s11], $0x2800  }
0x2c: {  	_ =	swait.ge [sflag:s9], $0x2800  }
0x2d: {  	[sflag:s9] =	ssyncset.done $0x0  }
0x2e: {  	[sflag:s9] =	ssyncadd.s32 $0xFFFFD800  }
0x2f: {  	_ =	sfence.sel $0x180000  }
0x30: {  	[bflag:$0x0] =	sbarrier.arrive $0xFFFF  }
0x31: {  	p0 =	sne.s32 s0, $0x0;
	_ =	strace $0x9000004A  }
0x32: {  	s0 =	sadd.s32 @!p0 $0x100000, s1;
	[bflag:$0x2] =	sbarrier.arrive $0xFFFF  }
0x33: {  	[sflag:s0] =	ssyncadd.tile.s32 @!p0 $0x1;
	_ =	shalt  }
.Lfunc_end2:
_tile_overlayer_lowered:
.L_overlay_start_2:
0x34: {  	(tag) =	ssettag $0x2  }
0x35: {  	s0 =	rddreg [dreg:$0x0];
	s2 =	stileid.u32  }
0x36: {  	s1 =	rddreg [dreg:$0x1];
	p0 =	sne.s32 s2, $0x0  }
0x37: {  	s3 =	rddreg [dreg:$0x2];
	[bflag:$0x3] =	sbarrier.arrive $0xFFFF;
	s2 =	simm.s32 @!p0 $0x1C01  }
0x38: {  	[timem:s3], [sflag:s2] =	dma.local @!p0 [hbm:s0], s1  }
0x39: {  	s0 =	simm.s32 @!p0 $0x1  }
0x3a: {  	_ =	swait.ge @!p0 [sflag:s0], s1  }
0x3b: {  	s1 =	ssub.s32 @!p0 $0x0, s1;
	[sflag:s0] =	ssyncset.done @!p0 $0x0  }
0x3c: {  	[sflag:s0] =	ssyncadd.s32 @!p0 s1  }
0x3d: {  	[bflag:$0x3] =	sbarrier.arrive $0xFFFF  }
0x3e: {  	_ =	shalt  }

// kernel: kernel.15.cloned.1.call-start
scs
__scs_entry_jumppad:
0x0: {  	(pc) =	sbr.rel $0x88, $3  }
0x1: {  	(tag) =	ssettag $0x0;
	lr =	simm.s32 $0x1  }
0x2: {  	[smem:$0x3F93] =	sst lr;
	_ =	strace $0xD0000000  }
0x3: {  	_ = 	snop  }
0x4: {  	_ = 	snop  }
0x5: {  	_ = 	snop  }
0x6: {  	_ = 	snop  }
0x7: {  	_ = 	snop  }
__scs_overlays_trampoline_lowered:
0x8: {  	[smem:$0x3FA2] =	sst s0  }
0x9: {  	[smem:$0x3FA3] =	sst s1  }
0xa: {  	[smem:$0x3FA4] =	sst s2  }
0xb: {  	[smem:$0x3FA5] =	sst s3  }
0xc: {  	[smem:$0x3FA6] =	sst s4  }
0xd: {  	[smem:$0x3FA7] =	sst s5  }
0xe: {  	[smem:$0x3FA8] =	sst s6  }
0xf: {  	[smem:$0x3FA9] =	sst s7  }
0x10: {  	[smem:$0x3FAA] =	sst s8  }
0x11: {  	[smem:$0x3FAB] =	sst s9;
	s0 =	simm.s32 @!p0 $0x0  }
0x12: {  	s1 =	sld [smem:$0x3F91];
	s0 =	simm.s32 @p0 $0x1  }
0x13: {  	[smem:$0x3FAC] =	sst s0;
	s0 =	simm.s32 @!p1 $0x0  }
0x14: {  	s2 =	sld [smem:$0x3F90];
	s0 =	simm.s32 @p1 $0x1  }
0x15: {  	[smem:$0x3FAD] =	sst s0;
	s0 =	simm.s32 @!p2 $0x0  }
0x16: {  	s3 =	sld [smem:$0x3FDB];
	s0 =	simm.s32 @p2 $0x1  }
0x17: {  	s4 =	simm.s32 $0x1BF5;
	[smem:$0x3FAF] =	sst s0  }
0x18: {  	s0 =	sld [smem:$0x3F92];
	_ =	swait.ge [sflag:s4], $0x0  }
0x19: {  	s7 =	sld [smem:$0x3F93]  }
0x1a: {  	s8 =	sadd.s32 $0xFFFFE003, lr  }
0x1b: {  	s9 =	sadd.s32 $0xFFFFFEF7, lr;
	s5 =	simm.s32 $0xFFFFFFFF;
	p2 =	slt.u32 s8, $0xFFFFF086  }
0x1c: {  	p1 =	slt.u32 s9, $0xF7A;
	s5 =	simm.s32 @!p2 $0x0  }
0x1d: {  	s5 =	simm.s32 @p1 $0x1;
	p0 =	seq.s32 s7, s2  }
0x1e: {  	s7 =	smul.u32 @!p0 $0xF7A, s2;
	p2 =	seq.s32 @!p0 s5, $0x0  }
0x1f: {  	s9 =	smul.u32 $0xF7A, s1;
	s8 =	simm.s32 @!p0 $0x1BF5;
	p2 =	por !p2, p0  }
0x20: {  	[sflag:s8] =	ssyncset.s32 @!p0 $0xFFFFF086;
	s6 =	sadd.s32 @!p0 s3, s7;
	s7 =	simm.s32 @!p0 $0x108  }
0x21: {  	s3 =	sadd.s32 s3, s9;
	s6 =	sadd.s32 @!p0 $0x88, s6;
	s7 =	simm.s32 @p2 $0x1082  }
0x22: {  	[simem:s7], [sflag:s8] =	dma.local @!p0 [hbm:s6], $0xF7A  }
0x23: {  	s9 =	sor.u32 $0xD0000000, s2;
	s6 =	simm.s32 $0x108;
	_ =	swait.ge @!p0 [sflag:s8], $0x0  }
0x24: {  	s3 =	sadd.s32 $0x88, s3;
	s6 =	simm.s32 @!p1 $0x1082;
	[sflag:s4] =	ssyncset.s32 $0xFFFFF086  }
0x25: {  	[simem:s6], [sflag:s4] =	dma.local [hbm:s3], $0xF7A  }
0x26: {  	[smem:$0x3F93] =	sst s1;
	(tag) =	ssettag s2;
	_ =	strace s9  }
0x27: {  	s1 =	sld [smem:$0x3FA3]  }
0x28: {  	s2 =	sld [smem:$0x3FA4]  }
0x29: {  	s4 =	sld [smem:$0x3FA6]  }
0x2a: {  	p0 =	seq.s32 s5, $0x0;
	s5 =	sld [smem:$0x3FA7]  }
0x2b: {  	s6 =	sld [smem:$0x3FA8]  }
0x2c: {  	s7 =	sld [smem:$0x3FA9]  }
0x2d: {  	s3 =	simm.s32 $0x108;
	s8 =	sld [smem:$0x3FAA]  }
0x2e: {  	s3 =	simm.s32 @!p0 $0x1082;
	s9 =	sld [smem:$0x3FAB]  }
0x2f: {  	lr =	sadd.s32 s0, s3;
	s0 =	sld [smem:$0x3FA2]  }
0x30: {  	s3 =	sld [smem:$0x3FA5]  }
0x31: {  	[smem:$0x3FAE] =	sst s10  }
0x32: {  	s10 =	sld [smem:$0x3FAC];
	_ =	sdelay $0x3  }
0x33: {  	p0 =	seq.s32 s10, $0x1;
	s10 =	sld [smem:$0x3FAE];
	_ =	sdelay $0x3  }
0x34: {  	[smem:$0x3FAE] =	sst s10  }
0x35: {  	s10 =	sld [smem:$0x3FAD];
	_ =	sdelay $0x3  }
0x36: {  	p1 =	seq.s32 s10, $0x1;
	s10 =	sld [smem:$0x3FAE];
	_ =	sdelay $0x3  }
0x37: {  	[smem:$0x3FAE] =	sst s10  }
0x38: {  	s10 =	sld [smem:$0x3FAF]  }
0x39: {  	_ = 	snop;
	(pc) =	sbr.ind lr, $3  }
0x3a: {  	_ = 	snop  }
0x3b: {  	_ = 	snop  }
0x3c: {  	p2 =	seq.s32 s10, $0x1;
	s10 =	sld [smem:$0x3FAE]  }
0x3d: {  	_ =	shalt  }
0x3e: {  	_ =	shalt  }
0x3f: {  	_ =	shalt  }
0x40: {  	_ =	shalt  }
0x41: {  	_ =	shalt  }
0x42: {  	_ =	shalt  }
0x43: {  	_ =	shalt  }
0x44: {  	_ =	shalt  }
0x45: {  	_ =	shalt  }
0x46: {  	_ =	shalt  }
0x47: {  	_ =	shalt  }
0x48: {  	_ =	shalt  }
0x49: {  	_ =	shalt  }
0x4a: {  	_ =	shalt  }
0x4b: {  	_ =	shalt  }
0x4c: {  	_ =	shalt  }
0x4d: {  	_ =	shalt  }
0x4e: {  	_ =	shalt  }
0x4f: {  	_ =	shalt  }
0x50: {  	_ =	shalt  }
0x51: {  	_ =	shalt  }
0x52: {  	_ =	shalt  }
0x53: {  	_ =	shalt  }
0x54: {  	_ =	shalt  }
0x55: {  	_ =	shalt  }
0x56: {  	_ =	shalt  }
0x57: {  	_ =	shalt  }
0x58: {  	_ =	shalt  }
0x59: {  	_ =	shalt  }
0x5a: {  	_ =	shalt  }
0x5b: {  	_ =	shalt  }
0x5c: {  	_ =	shalt  }
0x5d: {  	_ =	shalt  }
0x5e: {  	_ =	shalt  }
0x5f: {  	_ =	shalt  }
0x60: {  	_ =	shalt  }
0x61: {  	_ =	shalt  }
0x62: {  	_ =	shalt  }
0x63: {  	_ =	shalt  }
0x64: {  	_ =	shalt  }
0x65: {  	_ =	shalt  }
0x66: {  	_ =	shalt  }
0x67: {  	_ =	shalt  }
0x68: {  	_ =	shalt  }
0x69: {  	_ =	shalt  }
0x6a: {  	_ =	shalt  }
0x6b: {  	_ =	shalt  }
0x6c: {  	_ =	shalt  }
0x6d: {  	_ =	shalt  }
0x6e: {  	_ =	shalt  }
0x6f: {  	_ =	shalt  }
0x70: {  	_ =	shalt  }
0x71: {  	_ =	shalt  }
0x72: {  	_ =	shalt  }
0x73: {  	_ =	shalt  }
0x74: {  	_ =	shalt  }
0x75: {  	_ =	shalt  }
0x76: {  	_ =	shalt  }
0x77: {  	_ =	shalt  }
0x78: {  	_ =	shalt  }
0x79: {  	_ =	shalt  }
0x7a: {  	_ =	shalt  }
0x7b: {  	_ =	shalt  }
0x7c: {  	_ =	shalt  }
0x7d: {  	_ =	shalt  }
0x7e: {  	_ =	shalt  }
0x7f: {  	_ =	shalt  }
0x80: {  	_ =	shalt  }
0x81: {  	_ =	shalt  }
0x82: {  	_ =	shalt  }
0x83: {  	_ =	shalt  }
0x84: {  	_ =	shalt  }
0x85: {  	_ =	shalt  }
0x86: {  	_ =	shalt  }
0x87: {  	_ =	shalt  }
.Lfunc_end0:
.L_simem_size_0:
called_computation.1_lowered:
.L_overlay_start_0:
0x88: {  	s2 =	sld [smem:$0x3FD9]  }
0x89: {  	s3 =	sld [smem:$0x3FFE];
	_ =	sdelay $0x1  }
0x8a: {  	s1 =	srdreg.scid  }
0x8b: {  	s0 =	sand.u32 $0x1, s1  }
0x8c: {  	s16 =	sshll.u32 s0, $0xA;
	s2 =	sadd.s32 s3, s2  }
0x8d: {  	s2 =	sadd.s32 s2, s16  }
0x8e: {  	[smem:$0x3FBA] =	sst s2  }
0x8f: {  	_ = 	snop  }
0x90: {  	(tm) =	ssettm $0x1  }
0x91: {  	s17 =	sld [smem:$0x3FFB];
	_ =	sdelay $0x3  }
0x92: {  	_ =	strace s17  }
0x93: {  	s2 =	sld [smem:$0x3FFC];
	_ =	sdelay $0x3  }
0x94: {  	_ =	strace s2  }
0x95: {  	s2 =	sld [smem:$0x3FFD];
	_ =	sdelay $0x3  }
0x96: {  	_ =	strace s2  }
0x97: {  	_ =	strace $0x8FFFFFFF  }
0x98: {  	s18 =	sld [smem:$0x3FDB];
	_ =	sdelay $0x1  }
0x99: {  	s19 =	simm.s32 $_scs_section_size  }
0x9a: {  	s4 =	simm.s32 $_size__tile_overlayer_lowered;
	s5 =	simm.s32 $_tile_overlayer_lowered  }
0x9b: {  	s22 =	simm.s32 $0x1BFF;
	s21 =	sshll.u32 s5, $0x1;
	s2 =	sadd.s32 s19, s18  }
0x9c: {  	s6 =	simm.s32 $0x0;
	s20 =	sshll.u32 s4, $0x1;
	s4 =	sadd.s32 s21, s2  }
0x9d: {  	[timem:s6], [sflag:s22] =	dma.local [hbm:s4], s20  }
0x9e: {  	_ =	swait.ge [sflag:s22], s20  }
0x9f: {  	s3 =	ssub.s32 $0x0, s20;
	[sflag:s22] =	ssyncset.done $0x0  }
0xa0: {  	[sflag:s22] =	ssyncadd.s32 s3;
	_ =	sdelay $0x1  }
0xa1: {  	s23 =	simm.s32 $0x1B8B  }
0xa2: {  	_ =	swait.ge [sflag:s23], $0x1  }
0xa3: {  	[sflag:s23] =	ssyncset.done $0x0  }
0xa4: {  	s25 =	simm.s32 $0x1B8E;
	s24 =	sld [smem:$0x3FFE];
	[sflag:s23] =	ssyncadd.s32 $0xFFFFFFFF  }
0xa5: {  	s26 =	simm.s32 $execute0_lowered;
	[smem:$0x3FD2] =	sst s25  }
0xa6: {  	s4 =	sshll.u32 s26, $0x1;
	_ =	strace $0x80000046;
	[dreg:$0x1] =	wrdreg $0xFFFFFFFF  }
0xa7: {  	s28 =	simm.s32 $_size_execute0_lowered;
	s2 =	sadd.s32 s2, s4;
	[dreg:$0x0] =	wrdreg $0x0  }
0xa8: {  	s4 =	sshll.u32 s28, $0x1;
	[dreg:$0x2] =	wrdreg s2  }
0xa9: {  	[dreg:$0x3] =	wrdreg s4  }
0xaa: {  	[dreg:$0x4] =	wrdreg $0xC0  }
0xab: {  	_ =	task [dreg:s6], $0x5FFFF  }
0xac: {  	[dreg:$0x1] =	wrdreg $0xFFFFFFFF  }
0xad: {  	[dreg:$0x0] =	wrdreg $0x60  }
0xae: {  	[dreg:$0x2] =	wrdreg s24  }
0xaf: {  	[dreg:$0x3] =	wrdreg $0x90000  }
0xb0: {  	[dreg:$0x4] =	wrdreg $0xA  }
0xb1: {  	_ =	task.clear_ibuf [dreg:s6], $0x5FFFF;
	_ =	strace $0x90000046  }
0xb2: {  	s29 =	simm.s32 $0xA;
	_ =	strace $0x80000048  }
0xb3: {  	_ =	swait.ge [sflag:s29], $0x1  }
0xb4: {  	[sflag:s29] =	ssyncadd.s32 $0xFFFFFFFF  }
0xb5: {  	_ =	strace $0x90000048  }
0xb6: {  	_ =	sfence  }
0xb7: {  	s30 =	sld [smem:$0x0];
	_ =	sdelay $0x2  }
0xb8: {  	s31 =	sshll.u32 s1, $0xD;
	s1 =	sshrl.u32 s1, $0x2  }
0xb9: {  	s3 =	sand.u32 $0x4000, s31;
	s1 =	sadd.s32 s1, s30  }
0xba: {  	s0 =	sor.u32 s3, s0;
	s1 =	sshll.u32 s1, $0x11  }
0xbb: {  	s0 =	sor.u32 s1, s0  }
0xbc: {  	s0 =	sadd.s32 $0x8F2B, s0  }
0xbd: {  	[sflag:s0] =	ssyncadd.remote.s32 $0x1  }
0xbe: {  	_ =	sfence.sel $0xFFFF  }
0xbf: {  	[dreg:$0x0] =	wrdreg $0xFFFFFFFF;
	(pc) =	sbr.abs _section_cstart, $3  }
0xc0: {  	[dreg:$0x1] =	wrdreg $0xFFFFFFFF  }
0xc1: {  	_ =	task.clear_ibuf [dreg:s6], $0x2FFFF;
	_ =	strace $0x9FFFFFFF  }
0xc2: {  	(tm) =	ssettm $0x7FFFFFFF  }
0xc3: {  	_ =	shalt  }
tec
execute0_lowered:
.L_overlay_start_1:
0x0: {  	(tag) =	ssettag $0x1  }
0x1: {  	s1 =	srdreg.scid  }
0x2: {  	s0 =	stileid.u32;
	s6 =	rddreg [dreg:$0x0]  }
0x3: {  	s2 =	rddreg [dreg:$0x1];
	s3 =	simm.s32 $0x0;
	s14 =	simm.s32 $0x80  }
0x4: {  	s15 =	simm.s32 $0x5000;
	s16 =	simm.s32 $0x1;
	s17 =	simm.s32 $0x0  }
0x5: {  	s5 =	sand.u32 $0x1, s1;
	s29 =	sshll.u32 s0, $0x1;
	s9 =	smul.u32 $0x14000, s0  }
0x6: {  	[smem:$0x7FF] =	sst s3;
	s4 =	sadd.s32 $0x6000, s6;
	s11 =	smul.u32 $0x50000, s0  }
0x7: {  	s12 =	sshll.u32 s0, $0x6;
	s1 =	sor.u32 s5, s29;
	s8 =	smul.u32 $0x140000, s5  }
0x8: {  	s30 =	ssub.s32 $0x2, s5;
	s5 =	sadd.s32 $0x68400, s6;
	s12 =	sor.u32 $0x1C02, s12  }
0x9: {  	s7 =	smul.u32 $0x500, s1;
	s1 =	rddreg [dreg:$0x2];
	_ =	strace $0x80000047  }
0xa: {  	s10 =	sshrl.u32 s30, $0x1;
	s31 =	sshrl.u32 s11, $0x2;
	s11 =	simm.s32 $0x2800  }
0xb: {  	s8 =	sadd.s32 s9, s8;
	s9 =	ssub.s32 s30, s10;
	s13 =	sadd.s32 s31, s2  }
0xc: {  	s10 =	simm.s32 $0x2;
	s7 =	sadd.s32 s7, s6;
	s8 =	sshrl.u32 s8, $0x3  }
0xd: {  	s9 =	smax.u32 s9, $0x1;
	s13 =	sshrl.u32 s13, $0x3;
	s8 =	sadd.s32 s8, s6  }
0xe: {  	s6 =	sadd.s32 $0x54400, s7;
	s7 =	sadd.s32 $0x5E400, s7;
	s8 =	sadd.s32 $0x6AC00, s8  }
.LBB2_1:
0xf: {  	[tilespmem:s3], [sflag:$0x2] =	stream.linear.gather [hbm4b:s6+s3], $0x2800, $0x38;
	[tilespmem:$0x1D000] =	vst v63  }
0x10: {  	_ =	swait.ge [sflag:s10], $0x2800  }
0x11: {  	[sflag:s10] =	ssyncset.done $0x0  }
0x12: {  	[sflag:s10] =	ssyncadd.s32 $0xFFFFD800  }
0x13: {  	[tilespmem:s11], [sflag:$0x2] =	stream.linear.gather [hbm4b:s7+s3], $0x2800, $0x38;
	[tilespmem:$0x1D000] =	vst v63  }
0x14: {  	_ =	swait.ge [sflag:s10], $0x2800  }
0x15: {  	[sflag:s10] =	ssyncset.done $0x0  }
0x16: {  	[sflag:s10] =	ssyncadd.s32 $0xFFFFD800  }
0x17: {  	[spmem:s13], [sflag:s12] =	dma.local [hbm:s5], $0x2800  }
0x18: {  	_ =	swait.ge [sflag:s10], $0x2800  }
0x19: {  	[sflag:s10] =	ssyncset.done $0x0  }
0x1a: {  	[sflag:s10] =	ssyncadd.s32 $0xFFFFD800  }
0x1b: {  	s18 =	simm.s32 $0x0;
	[bflag:$0x0] =	sbarrier.arrive $0xFFFF  }
0x1c: {  	[tilespmem:s15], [sflag:$0x1] =	stream.indirect.gather [hbm4b:s4+s14], $0x80, s18, s14, $0xb8;
	[tilespmem:$0x1D000] =	vst v63  }
0x1d: {  	_ =	swait.ge [sflag:s16], $0x4000  }
0x1e: {  	[sflag:s16] =	ssyncset.done $0x0  }
0x1f: {  	s31 =	simm.s32 $0x2800;
	[sflag:s16] =	ssyncadd.s32 $0xFFFFC000  }
0x20: {  	[spmem:s2] =	stream.indirect.scatter.add.f32 [tilespmem:s15], [sflag:$0x2], $0x80, s31, s14, $0xb8;
	[tilespmem:$0x1D000] =	vst v63  }
0x21: {  	_ =	swait.ge [sflag:s10], $0x4000  }
0x22: {  	s19 =	simm.s32 $0x400;
	s18 =	simm.s32 $0x200;
	[sflag:s10] =	ssyncset.done $0x0  }
.LBB2_2:
0x23: {  	s20 =	sshra.s32 s18, $0x2  }
0x24: {  	[sflag:s10] =	ssyncadd.s32 $0xFFFFC000;
	s18 =	smov.u32 s19;
	s21 =	sadd.s32 $0x200, s19  }
0x25: {  	[tilespmem:s15], [sflag:$0x1] =	stream.indirect.gather [hbm4b:s4+s14], $0x80, s20, s14, $0xb8;
	[tilespmem:$0x1D000] =	vst v63  }
0x26: {  	p0 =	sne.s32 s19, $0x9E00;
	_ =	swait.ge [sflag:s16], $0x4000  }
.Ltmp0:
0x27: {  	[sflag:s16] =	ssyncset.done $0x0;
	(pc) =	sbr.rel @p0 .LBB2_2-.Ltmp0, $4  }
0x28: {  	s19 =	sadd.s32 $0x2800, s20;
	[sflag:s16] =	ssyncadd.s32 $0xFFFFC000  }
0x29: {  	[spmem:s2] =	stream.indirect.scatter.add.f32 [tilespmem:s15], [sflag:$0x2], $0x80, s19, s14, $0xb8;
	[tilespmem:$0x1D000] =	vst v63  }
0x2a: {  	_ =	swait.ge [sflag:s10], $0x4000  }
0x2b: {  	s19 =	smov.u32 s21;
	[sflag:s10] =	ssyncset.done $0x0  }
0x2c: {  	s18 =	sshra.s32 s18, $0x2;
	[sflag:s10] =	ssyncadd.s32 $0xFFFFC000  }
0x2d: {  	[tilespmem:s15], [sflag:$0x1] =	stream.indirect.gather [hbm4b:s4+s14], $0x80, s18, s14, $0xb8;
	[tilespmem:$0x1D000] =	vst v63  }
0x2e: {  	_ =	swait.ge [sflag:s16], $0x4000  }
0x2f: {  	[sflag:s16] =	ssyncset.done $0x0  }
0x30: {  	s18 =	sadd.s32 $0x2800, s18;
	[sflag:s16] =	ssyncadd.s32 $0xFFFFC000  }
0x31: {  	[spmem:s2] =	stream.indirect.scatter.add.f32 [tilespmem:s15], [sflag:$0x2], $0x80, s18, s14, $0xb8;
	[tilespmem:$0x1D000] =	vst v63  }
0x32: {  	_ =	swait.ge [sflag:s10], $0x4000  }
0x33: {  	s17 =	sadd.s32 $0x1, s17;
	[sflag:s10] =	ssyncset.done $0x0  }
0x34: {  	p0 =	sne.s32 s17, s9;
	[sflag:s10] =	ssyncadd.s32 $0xFFFFC000  }
.Ltmp1:
0x35: {  	[bflag:$0x0] =	sbarrier.arrive $0xFFFF;
	(pc) =	sbr.rel @p0 .LBB2_1-.Ltmp1, $4  }
0x36: {  	[hbm:s8], [sflag:s12] =	dma.local [spmem:s13], $0x2800  }
0x37: {  	_ =	swait.ge [sflag:s10], $0x2800  }
0x38: {  	[sflag:s10] =	ssyncset.done $0x0  }
0x39: {  	[sflag:s10] =	ssyncadd.s32 $0xFFFFD800  }
0x3a: {  	_ =	sfence.sel $0x180000  }
0x3b: {  	[bflag:$0x0] =	sbarrier.arrive $0xFFFF  }
0x3c: {  	p0 =	sne.s32 s0, $0x0;
	_ =	strace $0x90000047  }
0x3d: {  	s0 =	sadd.s32 @!p0 $0x100000, s1;
	[bflag:$0x2] =	sbarrier.arrive $0xFFFF  }
0x3e: {  	[sflag:s0] =	ssyncadd.tile.s32 @!p0 $0x1;
	_ =	shalt  }
.Lfunc_end2:
_tile_overlayer_lowered:
.L_overlay_start_2:
0x3f: {  	(tag) =	ssettag $0x2  }
0x40: {  	s0 =	rddreg [dreg:$0x0];
	s2 =	stileid.u32  }
0x41: {  	s1 =	rddreg [dreg:$0x1];
	p0 =	sne.s32 s2, $0x0  }
0x42: {  	s3 =	rddreg [dreg:$0x2];
	[bflag:$0x3] =	sbarrier.arrive $0xFFFF;
	s2 =	simm.s32 @!p0 $0x1C02  }
0x43: {  	[timem:s3], [sflag:s2] =	dma.local @!p0 [hbm:s0], s1  }
0x44: {  	s0 =	simm.s32 @!p0 $0x2  }
0x45: {  	_ =	swait.ge @!p0 [sflag:s0], s1  }
0x46: {  	s1 =	ssub.s32 @!p0 $0x0, s1;
	[sflag:s0] =	ssyncset.done @!p0 $0x0  }
0x47: {  	[sflag:s0] =	ssyncadd.s32 @!p0 s1  }
0x48: {  	[bflag:$0x3] =	sbarrier.arrive $0xFFFF  }
0x49: {  	_ =	shalt  }

// kernel: kernel.18.cloned.1.call-start
scs
__scs_entry_jumppad:
0x0: {  	(pc) =	sbr.rel $0x88, $3  }
0x1: {  	(tag) =	ssettag $0x0;
	lr =	simm.s32 $0x1  }
0x2: {  	[smem:$0x3F93] =	sst lr;
	_ =	strace $0xD0000000  }
0x3: {  	_ = 	snop  }
0x4: {  	_ = 	snop  }
0x5: {  	_ = 	snop  }
0x6: {  	_ = 	snop  }
0x7: {  	_ = 	snop  }
__scs_overlays_trampoline_lowered:
0x8: {  	[smem:$0x3FA2] =	sst s0  }
0x9: {  	[smem:$0x3FA3] =	sst s1  }
0xa: {  	[smem:$0x3FA4] =	sst s2  }
0xb: {  	[smem:$0x3FA5] =	sst s3  }
0xc: {  	[smem:$0x3FA6] =	sst s4  }
0xd: {  	[smem:$0x3FA7] =	sst s5  }
0xe: {  	[smem:$0x3FA8] =	sst s6  }
0xf: {  	[smem:$0x3FA9] =	sst s7  }
0x10: {  	[smem:$0x3FAA] =	sst s8  }
0x11: {  	[smem:$0x3FAB] =	sst s9;
	s0 =	simm.s32 @!p0 $0x0  }
0x12: {  	s1 =	sld [smem:$0x3F91];
	s0 =	simm.s32 @p0 $0x1  }
0x13: {  	[smem:$0x3FAC] =	sst s0;
	s0 =	simm.s32 @!p1 $0x0  }
0x14: {  	s2 =	sld [smem:$0x3F90];
	s0 =	simm.s32 @p1 $0x1  }
0x15: {  	[smem:$0x3FAD] =	sst s0;
	s0 =	simm.s32 @!p2 $0x0  }
0x16: {  	s3 =	sld [smem:$0x3FDB];
	s0 =	simm.s32 @p2 $0x1  }
0x17: {  	s4 =	simm.s32 $0x1BF5;
	[smem:$0x3FAF] =	sst s0  }
0x18: {  	s0 =	sld [smem:$0x3F92];
	_ =	swait.ge [sflag:s4], $0x0  }
0x19: {  	s7 =	sld [smem:$0x3F93]  }
0x1a: {  	s8 =	sadd.s32 $0xFFFFE003, lr  }
0x1b: {  	s9 =	sadd.s32 $0xFFFFFEF7, lr;
	s5 =	simm.s32 $0xFFFFFFFF;
	p2 =	slt.u32 s8, $0xFFFFF086  }
0x1c: {  	p1 =	slt.u32 s9, $0xF7A;
	s5 =	simm.s32 @!p2 $0x0  }
0x1d: {  	s5 =	simm.s32 @p1 $0x1;
	p0 =	seq.s32 s7, s2  }
0x1e: {  	s7 =	smul.u32 @!p0 $0xF7A, s2;
	p2 =	seq.s32 @!p0 s5, $0x0  }
0x1f: {  	s9 =	smul.u32 $0xF7A, s1;
	s8 =	simm.s32 @!p0 $0x1BF5;
	p2 =	por !p2, p0  }
0x20: {  	[sflag:s8] =	ssyncset.s32 @!p0 $0xFFFFF086;
	s6 =	sadd.s32 @!p0 s3, s7;
	s7 =	simm.s32 @!p0 $0x108  }
0x21: {  	s3 =	sadd.s32 s3, s9;
	s6 =	sadd.s32 @!p0 $0x88, s6;
	s7 =	simm.s32 @p2 $0x1082  }
0x22: {  	[simem:s7], [sflag:s8] =	dma.local @!p0 [hbm:s6], $0xF7A  }
0x23: {  	s9 =	sor.u32 $0xD0000000, s2;
	s6 =	simm.s32 $0x108;
	_ =	swait.ge @!p0 [sflag:s8], $0x0  }
0x24: {  	s3 =	sadd.s32 $0x88, s3;
	s6 =	simm.s32 @!p1 $0x1082;
	[sflag:s4] =	ssyncset.s32 $0xFFFFF086  }
0x25: {  	[simem:s6], [sflag:s4] =	dma.local [hbm:s3], $0xF7A  }
0x26: {  	[smem:$0x3F93] =	sst s1;
	(tag) =	ssettag s2;
	_ =	strace s9  }
0x27: {  	s1 =	sld [smem:$0x3FA3]  }
0x28: {  	s2 =	sld [smem:$0x3FA4]  }
0x29: {  	s4 =	sld [smem:$0x3FA6]  }
0x2a: {  	p0 =	seq.s32 s5, $0x0;
	s5 =	sld [smem:$0x3FA7]  }
0x2b: {  	s6 =	sld [smem:$0x3FA8]  }
0x2c: {  	s7 =	sld [smem:$0x3FA9]  }
0x2d: {  	s3 =	simm.s32 $0x108;
	s8 =	sld [smem:$0x3FAA]  }
0x2e: {  	s3 =	simm.s32 @!p0 $0x1082;
	s9 =	sld [smem:$0x3FAB]  }
0x2f: {  	lr =	sadd.s32 s0, s3;
	s0 =	sld [smem:$0x3FA2]  }
0x30: {  	s3 =	sld [smem:$0x3FA5]  }
0x31: {  	[smem:$0x3FAE] =	sst s10  }
0x32: {  	s10 =	sld [smem:$0x3FAC];
	_ =	sdelay $0x3  }
0x33: {  	p0 =	seq.s32 s10, $0x1;
	s10 =	sld [smem:$0x3FAE];
	_ =	sdelay $0x3  }
0x34: {  	[smem:$0x3FAE] =	sst s10  }
0x35: {  	s10 =	sld [smem:$0x3FAD];
	_ =	sdelay $0x3  }
0x36: {  	p1 =	seq.s32 s10, $0x1;
	s10 =	sld [smem:$0x3FAE];
	_ =	sdelay $0x3  }
0x37: {  	[smem:$0x3FAE] =	sst s10  }
0x38: {  	s10 =	sld [smem:$0x3FAF]  }
0x39: {  	_ = 	snop;
	(pc) =	sbr.ind lr, $3  }
0x3a: {  	_ = 	snop  }
0x3b: {  	_ = 	snop  }
0x3c: {  	p2 =	seq.s32 s10, $0x1;
	s10 =	sld [smem:$0x3FAE]  }
0x3d: {  	_ =	shalt  }
0x3e: {  	_ =	shalt  }
0x3f: {  	_ =	shalt  }
0x40: {  	_ =	shalt  }
0x41: {  	_ =	shalt  }
0x42: {  	_ =	shalt  }
0x43: {  	_ =	shalt  }
0x44: {  	_ =	shalt  }
0x45: {  	_ =	shalt  }
0x46: {  	_ =	shalt  }
0x47: {  	_ =	shalt  }
0x48: {  	_ =	shalt  }
0x49: {  	_ =	shalt  }
0x4a: {  	_ =	shalt  }
0x4b: {  	_ =	shalt  }
0x4c: {  	_ =	shalt  }
0x4d: {  	_ =	shalt  }
0x4e: {  	_ =	shalt  }
0x4f: {  	_ =	shalt  }
0x50: {  	_ =	shalt  }
0x51: {  	_ =	shalt  }
0x52: {  	_ =	shalt  }
0x53: {  	_ =	shalt  }
0x54: {  	_ =	shalt  }
0x55: {  	_ =	shalt  }
0x56: {  	_ =	shalt  }
0x57: {  	_ =	shalt  }
0x58: {  	_ =	shalt  }
0x59: {  	_ =	shalt  }
0x5a: {  	_ =	shalt  }
0x5b: {  	_ =	shalt  }
0x5c: {  	_ =	shalt  }
0x5d: {  	_ =	shalt  }
0x5e: {  	_ =	shalt  }
0x5f: {  	_ =	shalt  }
0x60: {  	_ =	shalt  }
0x61: {  	_ =	shalt  }
0x62: {  	_ =	shalt  }
0x63: {  	_ =	shalt  }
0x64: {  	_ =	shalt  }
0x65: {  	_ =	shalt  }
0x66: {  	_ =	shalt  }
0x67: {  	_ =	shalt  }
0x68: {  	_ =	shalt  }
0x69: {  	_ =	shalt  }
0x6a: {  	_ =	shalt  }
0x6b: {  	_ =	shalt  }
0x6c: {  	_ =	shalt  }
0x6d: {  	_ =	shalt  }
0x6e: {  	_ =	shalt  }
0x6f: {  	_ =	shalt  }
0x70: {  	_ =	shalt  }
0x71: {  	_ =	shalt  }
0x72: {  	_ =	shalt  }
0x73: {  	_ =	shalt  }
0x74: {  	_ =	shalt  }
0x75: {  	_ =	shalt  }
0x76: {  	_ =	shalt  }
0x77: {  	_ =	shalt  }
0x78: {  	_ =	shalt  }
0x79: {  	_ =	shalt  }
0x7a: {  	_ =	shalt  }
0x7b: {  	_ =	shalt  }
0x7c: {  	_ =	shalt  }
0x7d: {  	_ =	shalt  }
0x7e: {  	_ =	shalt  }
0x7f: {  	_ =	shalt  }
0x80: {  	_ =	shalt  }
0x81: {  	_ =	shalt  }
0x82: {  	_ =	shalt  }
0x83: {  	_ =	shalt  }
0x84: {  	_ =	shalt  }
0x85: {  	_ =	shalt  }
0x86: {  	_ =	shalt  }
0x87: {  	_ =	shalt  }
.Lfunc_end0:
.L_simem_size_0:
called_computation.2_lowered:
.L_overlay_start_0:
0x88: {  	s2 =	sld [smem:$0x3FD9]  }
0x89: {  	s3 =	sld [smem:$0x3FFE];
	_ =	sdelay $0x1  }
0x8a: {  	s1 =	srdreg.scid  }
0x8b: {  	s0 =	sand.u32 $0x1, s1  }
0x8c: {  	s16 =	sshll.u32 s0, $0xA;
	s2 =	sadd.s32 s3, s2  }
0x8d: {  	s2 =	sadd.s32 s2, s16  }
0x8e: {  	[smem:$0x3FBA] =	sst s2  }
0x8f: {  	_ = 	snop  }
0x90: {  	(tm) =	ssettm $0x1  }
0x91: {  	s17 =	sld [smem:$0x3FFB];
	_ =	sdelay $0x3  }
0x92: {  	_ =	strace s17  }
0x93: {  	s2 =	sld [smem:$0x3FFC];
	_ =	sdelay $0x3  }
0x94: {  	_ =	strace s2  }
0x95: {  	s2 =	sld [smem:$0x3FFD];
	_ =	sdelay $0x3  }
0x96: {  	_ =	strace s2  }
0x97: {  	_ =	strace $0x8FFFFFFF  }
0x98: {  	s18 =	sld [smem:$0x3FDB];
	_ =	sdelay $0x1  }
0x99: {  	s19 =	simm.s32 $_scs_section_size  }
0x9a: {  	s4 =	simm.s32 $_size__tile_overlayer_lowered;
	s5 =	simm.s32 $_tile_overlayer_lowered  }
0x9b: {  	s22 =	simm.s32 $0x1BFF;
	s21 =	sshll.u32 s5, $0x1;
	s2 =	sadd.s32 s19, s18  }
0x9c: {  	s6 =	simm.s32 $0x0;
	s20 =	sshll.u32 s4, $0x1;
	s4 =	sadd.s32 s21, s2  }
0x9d: {  	[timem:s6], [sflag:s22] =	dma.local [hbm:s4], s20  }
0x9e: {  	_ =	swait.ge [sflag:s22], s20  }
0x9f: {  	s3 =	ssub.s32 $0x0, s20;
	[sflag:s22] =	ssyncset.done $0x0  }
0xa0: {  	[sflag:s22] =	ssyncadd.s32 s3;
	_ =	sdelay $0x1  }
0xa1: {  	s23 =	simm.s32 $0x1B8B  }
0xa2: {  	_ =	swait.ge [sflag:s23], $0x1  }
0xa3: {  	[sflag:s23] =	ssyncset.done $0x0  }
0xa4: {  	s25 =	simm.s32 $0x1B8E;
	s24 =	sld [smem:$0x3FFE];
	[sflag:s23] =	ssyncadd.s32 $0xFFFFFFFF  }
0xa5: {  	s26 =	simm.s32 $execute0_lowered;
	[smem:$0x3FD2] =	sst s25  }
0xa6: {  	s4 =	sshll.u32 s26, $0x1;
	_ =	strace $0x8000004C;
	[dreg:$0x1] =	wrdreg $0xFFFFFFFF  }
0xa7: {  	s28 =	simm.s32 $_size_execute0_lowered;
	s2 =	sadd.s32 s2, s4;
	[dreg:$0x0] =	wrdreg $0x0  }
0xa8: {  	s4 =	sshll.u32 s28, $0x1;
	[dreg:$0x2] =	wrdreg s2  }
0xa9: {  	[dreg:$0x3] =	wrdreg s4  }
0xaa: {  	[dreg:$0x4] =	wrdreg $0xC0  }
0xab: {  	_ =	task [dreg:s6], $0x5FFFF  }
0xac: {  	[dreg:$0x1] =	wrdreg $0xFFFFFFFF  }
0xad: {  	[dreg:$0x0] =	wrdreg $0x60  }
0xae: {  	[dreg:$0x2] =	wrdreg s24  }
0xaf: {  	[dreg:$0x3] =	wrdreg $0x90000  }
0xb0: {  	[dreg:$0x4] =	wrdreg $0x9  }
0xb1: {  	_ =	task.clear_ibuf [dreg:s6], $0x5FFFF;
	_ =	strace $0x9000004C  }
0xb2: {  	s29 =	simm.s32 $0x9;
	_ =	strace $0x8000004E  }
0xb3: {  	_ =	swait.ge [sflag:s29], $0x1  }
0xb4: {  	[sflag:s29] =	ssyncadd.s32 $0xFFFFFFFF  }
0xb5: {  	_ =	strace $0x9000004E  }
0xb6: {  	_ =	sfence  }
0xb7: {  	s30 =	sld [smem:$0x0];
	_ =	sdelay $0x2  }
0xb8: {  	s31 =	sshll.u32 s1, $0xD;
	s1 =	sshrl.u32 s1, $0x2  }
0xb9: {  	s3 =	sand.u32 $0x4000, s31;
	s1 =	sadd.s32 s1, s30  }
0xba: {  	s0 =	sor.u32 s3, s0;
	s1 =	sshll.u32 s1, $0x11  }
0xbb: {  	s0 =	sor.u32 s1, s0  }
0xbc: {  	s0 =	sadd.s32 $0x8F2B, s0  }
0xbd: {  	[sflag:s0] =	ssyncadd.remote.s32 $0x1  }
0xbe: {  	_ =	sfence.sel $0xFFFF  }
0xbf: {  	[dreg:$0x0] =	wrdreg $0xFFFFFFFF;
	(pc) =	sbr.abs _section_cstart, $3  }
0xc0: {  	[dreg:$0x1] =	wrdreg $0xFFFFFFFF  }
0xc1: {  	_ =	task.clear_ibuf [dreg:s6], $0x2FFFF;
	_ =	strace $0x9FFFFFFF  }
0xc2: {  	(tm) =	ssettm $0x7FFFFFFF  }
0xc3: {  	_ =	shalt  }
tec
execute0_lowered:
.L_overlay_start_1:
0x0: {  	(tag) =	ssettag $0x1  }
0x1: {  	s1 =	srdreg.scid  }
0x2: {  	s0 =	stileid.u32;
	s6 =	rddreg [dreg:$0x0]  }
0x3: {  	s2 =	rddreg [dreg:$0x1];
	s3 =	simm.s32 $0x0;
	s14 =	simm.s32 $0x80  }
0x4: {  	s15 =	simm.s32 $0x5000;
	s16 =	simm.s32 $0x1;
	s17 =	simm.s32 $0x0  }
0x5: {  	s5 =	sand.u32 $0x1, s1;
	s29 =	sshll.u32 s0, $0x1;
	s9 =	smul.u32 $0x14000, s0  }
0x6: {  	[smem:$0x7FF] =	sst s3;
	s4 =	sadd.s32 $0x6000, s6;
	s11 =	smul.u32 $0x50000, s0  }
0x7: {  	s12 =	sshll.u32 s0, $0x6;
	s1 =	sor.u32 s5, s29;
	s8 =	smul.u32 $0x140000, s5  }
0x8: {  	s30 =	ssub.s32 $0x2, s5;
	s5 =	sadd.s32 $0x68400, s6;
	s12 =	sor.u32 $0x1C02, s12  }
0x9: {  	s7 =	smul.u32 $0x500, s1;
	s1 =	rddreg [dreg:$0x2];
	_ =	strace $0x8000004D  }
0xa: {  	s10 =	sshrl.u32 s30, $0x1;
	s31 =	sshrl.u32 s11, $0x2;
	s11 =	simm.s32 $0x2800  }
0xb: {  	s8 =	sadd.s32 s9, s8;
	s9 =	ssub.s32 s30, s10;
	s13 =	sadd.s32 s31, s2  }
0xc: {  	s10 =	simm.s32 $0x2;
	s7 =	sadd.s32 s7, s6;
	s8 =	sshrl.u32 s8, $0x3  }
0xd: {  	s9 =	smax.u32 s9, $0x1;
	s13 =	sshrl.u32 s13, $0x3;
	s8 =	sadd.s32 s8, s6  }
0xe: {  	s6 =	sadd.s32 $0x54400, s7;
	s7 =	sadd.s32 $0x5E400, s7;
	s8 =	sadd.s32 $0xBAC00, s8  }
.LBB2_1:
0xf: {  	[tilespmem:s3], [sflag:$0x2] =	stream.linear.gather [hbm4b:s6+s3], $0x2800, $0x38;
	[tilespmem:$0x1D000] =	vst v63  }
0x10: {  	_ =	swait.ge [sflag:s10], $0x2800  }
0x11: {  	[sflag:s10] =	ssyncset.done $0x0  }
0x12: {  	[sflag:s10] =	ssyncadd.s32 $0xFFFFD800  }
0x13: {  	[tilespmem:s11], [sflag:$0x2] =	stream.linear.gather [hbm4b:s7+s3], $0x2800, $0x38;
	[tilespmem:$0x1D000] =	vst v63  }
0x14: {  	_ =	swait.ge [sflag:s10], $0x2800  }
0x15: {  	[sflag:s10] =	ssyncset.done $0x0  }
0x16: {  	[sflag:s10] =	ssyncadd.s32 $0xFFFFD800  }
0x17: {  	[spmem:s13], [sflag:s12] =	dma.local [hbm:s5], $0x2800  }
0x18: {  	_ =	swait.ge [sflag:s10], $0x2800  }
0x19: {  	[sflag:s10] =	ssyncset.done $0x0  }
0x1a: {  	[sflag:s10] =	ssyncadd.s32 $0xFFFFD800  }
0x1b: {  	s18 =	simm.s32 $0x0;
	[bflag:$0x0] =	sbarrier.arrive $0xFFFF  }
0x1c: {  	[tilespmem:s15], [sflag:$0x1] =	stream.indirect.gather [hbm4b:s4+s14], $0x80, s18, s14, $0xb8;
	[tilespmem:$0x1D000] =	vst v63  }
0x1d: {  	_ =	swait.ge [sflag:s16], $0x4000  }
0x1e: {  	[sflag:s16] =	ssyncset.done $0x0  }
0x1f: {  	s31 =	simm.s32 $0x2800;
	[sflag:s16] =	ssyncadd.s32 $0xFFFFC000  }
0x20: {  	[spmem:s2] =	stream.indirect.scatter.add.f32 [tilespmem:s15], [sflag:$0x2], $0x80, s31, s14, $0xb8;
	[tilespmem:$0x1D000] =	vst v63  }
0x21: {  	_ =	swait.ge [sflag:s10], $0x4000  }
0x22: {  	s19 =	simm.s32 $0x400;
	s18 =	simm.s32 $0x200;
	[sflag:s10] =	ssyncset.done $0x0  }
.LBB2_2:
0x23: {  	s20 =	sshra.s32 s18, $0x2  }
0x24: {  	[sflag:s10] =	ssyncadd.s32 $0xFFFFC000;
	s18 =	smov.u32 s19;
	s21 =	sadd.s32 $0x200, s19  }
0x25: {  	[tilespmem:s15], [sflag:$0x1] =	stream.indirect.gather [hbm4b:s4+s14], $0x80, s20, s14, $0xb8;
	[tilespmem:$0x1D000] =	vst v63  }
0x26: {  	p0 =	sne.s32 s19, $0x9E00;
	_ =	swait.ge [sflag:s16], $0x4000  }
.Ltmp0:
0x27: {  	[sflag:s16] =	ssyncset.done $0x0;
	(pc) =	sbr.rel @p0 .LBB2_2-.Ltmp0, $4  }
0x28: {  	s19 =	sadd.s32 $0x2800, s20;
	[sflag:s16] =	ssyncadd.s32 $0xFFFFC000  }
0x29: {  	[spmem:s2] =	stream.indirect.scatter.add.f32 [tilespmem:s15], [sflag:$0x2], $0x80, s19, s14, $0xb8;
	[tilespmem:$0x1D000] =	vst v63  }
0x2a: {  	_ =	swait.ge [sflag:s10], $0x4000  }
0x2b: {  	s19 =	smov.u32 s21;
	[sflag:s10] =	ssyncset.done $0x0  }
0x2c: {  	s18 =	sshra.s32 s18, $0x2;
	[sflag:s10] =	ssyncadd.s32 $0xFFFFC000  }
0x2d: {  	[tilespmem:s15], [sflag:$0x1] =	stream.indirect.gather [hbm4b:s4+s14], $0x80, s18, s14, $0xb8;
	[tilespmem:$0x1D000] =	vst v63  }
0x2e: {  	_ =	swait.ge [sflag:s16], $0x4000  }
0x2f: {  	[sflag:s16] =	ssyncset.done $0x0  }
0x30: {  	s18 =	sadd.s32 $0x2800, s18;
	[sflag:s16] =	ssyncadd.s32 $0xFFFFC000  }
0x31: {  	[spmem:s2] =	stream.indirect.scatter.add.f32 [tilespmem:s15], [sflag:$0x2], $0x80, s18, s14, $0xb8;
	[tilespmem:$0x1D000] =	vst v63  }
0x32: {  	_ =	swait.ge [sflag:s10], $0x4000  }
0x33: {  	s17 =	sadd.s32 $0x1, s17;
	[sflag:s10] =	ssyncset.done $0x0  }
0x34: {  	p0 =	sne.s32 s17, s9;
	[sflag:s10] =	ssyncadd.s32 $0xFFFFC000  }
.Ltmp1:
0x35: {  	[bflag:$0x0] =	sbarrier.arrive $0xFFFF;
	(pc) =	sbr.rel @p0 .LBB2_1-.Ltmp1, $4  }
0x36: {  	[hbm:s8], [sflag:s12] =	dma.local [spmem:s13], $0x2800  }
0x37: {  	_ =	swait.ge [sflag:s10], $0x2800  }
0x38: {  	[sflag:s10] =	ssyncset.done $0x0  }
0x39: {  	[sflag:s10] =	ssyncadd.s32 $0xFFFFD800  }
0x3a: {  	_ =	sfence.sel $0x180000  }
0x3b: {  	[bflag:$0x0] =	sbarrier.arrive $0xFFFF  }
0x3c: {  	p0 =	sne.s32 s0, $0x0;
	_ =	strace $0x9000004D  }
0x3d: {  	s0 =	sadd.s32 @!p0 $0x100000, s1;
	[bflag:$0x2] =	sbarrier.arrive $0xFFFF  }
0x3e: {  	[sflag:s0] =	ssyncadd.tile.s32 @!p0 $0x1;
	_ =	shalt  }
.Lfunc_end2:
_tile_overlayer_lowered:
.L_overlay_start_2:
0x3f: {  	(tag) =	ssettag $0x2  }
0x40: {  	s0 =	rddreg [dreg:$0x0];
	s2 =	stileid.u32  }
0x41: {  	s1 =	rddreg [dreg:$0x1];
	p0 =	sne.s32 s2, $0x0  }
0x42: {  	s3 =	rddreg [dreg:$0x2];
	[bflag:$0x3] =	sbarrier.arrive $0xFFFF;
	s2 =	simm.s32 @!p0 $0x1C02  }
0x43: {  	[timem:s3], [sflag:s2] =	dma.local @!p0 [hbm:s0], s1  }
0x44: {  	s0 =	simm.s32 @!p0 $0x2  }
0x45: {  	_ =	swait.ge @!p0 [sflag:s0], s1  }
0x46: {  	s1 =	ssub.s32 @!p0 $0x0, s1;
	[sflag:s0] =	ssyncset.done @!p0 $0x0  }
0x47: {  	[sflag:s0] =	ssyncadd.s32 @!p0 s1  }
0x48: {  	[bflag:$0x3] =	sbarrier.arrive $0xFFFF  }
0x49: {  	_ =	shalt  }

// kernel: kernel.21.cloned.1.call-start
scs
__scs_entry_jumppad:
0x0: {  	(pc) =	sbr.rel $0x88, $3  }
0x1: {  	(tag) =	ssettag $0x0;
	lr =	simm.s32 $0x1  }
0x2: {  	[smem:$0x3F93] =	sst lr;
	_ =	strace $0xD0000000  }
0x3: {  	_ = 	snop  }
0x4: {  	_ = 	snop  }
0x5: {  	_ = 	snop  }
0x6: {  	_ = 	snop  }
0x7: {  	_ = 	snop  }
__scs_overlays_trampoline_lowered:
0x8: {  	[smem:$0x3FA2] =	sst s0  }
0x9: {  	[smem:$0x3FA3] =	sst s1  }
0xa: {  	[smem:$0x3FA4] =	sst s2  }
0xb: {  	[smem:$0x3FA5] =	sst s3  }
0xc: {  	[smem:$0x3FA6] =	sst s4  }
0xd: {  	[smem:$0x3FA7] =	sst s5  }
0xe: {  	[smem:$0x3FA8] =	sst s6  }
0xf: {  	[smem:$0x3FA9] =	sst s7  }
0x10: {  	[smem:$0x3FAA] =	sst s8  }
0x11: {  	[smem:$0x3FAB] =	sst s9;
	s0 =	simm.s32 @!p0 $0x0  }
0x12: {  	s1 =	sld [smem:$0x3F91];
	s0 =	simm.s32 @p0 $0x1  }
0x13: {  	[smem:$0x3FAC] =	sst s0;
	s0 =	simm.s32 @!p1 $0x0  }
0x14: {  	s2 =	sld [smem:$0x3F90];
	s0 =	simm.s32 @p1 $0x1  }
0x15: {  	[smem:$0x3FAD] =	sst s0;
	s0 =	simm.s32 @!p2 $0x0  }
0x16: {  	s3 =	sld [smem:$0x3FDB];
	s0 =	simm.s32 @p2 $0x1  }
0x17: {  	s4 =	simm.s32 $0x1BF5;
	[smem:$0x3FAF] =	sst s0  }
0x18: {  	s0 =	sld [smem:$0x3F92];
	_ =	swait.ge [sflag:s4], $0x0  }
0x19: {  	s7 =	sld [smem:$0x3F93]  }
0x1a: {  	s8 =	sadd.s32 $0xFFFFE003, lr  }
0x1b: {  	s9 =	sadd.s32 $0xFFFFFEF7, lr;
	s5 =	simm.s32 $0xFFFFFFFF;
	p2 =	slt.u32 s8, $0xFFFFF086  }
0x1c: {  	p1 =	slt.u32 s9, $0xF7A;
	s5 =	simm.s32 @!p2 $0x0  }
0x1d: {  	s5 =	simm.s32 @p1 $0x1;
	p0 =	seq.s32 s7, s2  }
0x1e: {  	s7 =	smul.u32 @!p0 $0xF7A, s2;
	p2 =	seq.s32 @!p0 s5, $0x0  }
0x1f: {  	s9 =	smul.u32 $0xF7A, s1;
	s8 =	simm.s32 @!p0 $0x1BF5;
	p2 =	por !p2, p0  }
0x20: {  	[sflag:s8] =	ssyncset.s32 @!p0 $0xFFFFF086;
	s6 =	sadd.s32 @!p0 s3, s7;
	s7 =	simm.s32 @!p0 $0x108  }
0x21: {  	s3 =	sadd.s32 s3, s9;
	s6 =	sadd.s32 @!p0 $0x88, s6;
	s7 =	simm.s32 @p2 $0x1082  }
0x22: {  	[simem:s7], [sflag:s8] =	dma.local @!p0 [hbm:s6], $0xF7A  }
0x23: {  	s9 =	sor.u32 $0xD0000000, s2;
	s6 =	simm.s32 $0x108;
	_ =	swait.ge @!p0 [sflag:s8], $0x0  }
0x24: {  	s3 =	sadd.s32 $0x88, s3;
	s6 =	simm.s32 @!p1 $0x1082;
	[sflag:s4] =	ssyncset.s32 $0xFFFFF086  }
0x25: {  	[simem:s6], [sflag:s4] =	dma.local [hbm:s3], $0xF7A  }
0x26: {  	[smem:$0x3F93] =	sst s1;
	(tag) =	ssettag s2;
	_ =	strace s9  }
0x27: {  	s1 =	sld [smem:$0x3FA3]  }
0x28: {  	s2 =	sld [smem:$0x3FA4]  }
0x29: {  	s4 =	sld [smem:$0x3FA6]  }
0x2a: {  	p0 =	seq.s32 s5, $0x0;
	s5 =	sld [smem:$0x3FA7]  }
0x2b: {  	s6 =	sld [smem:$0x3FA8]  }
0x2c: {  	s7 =	sld [smem:$0x3FA9]  }
0x2d: {  	s3 =	simm.s32 $0x108;
	s8 =	sld [smem:$0x3FAA]  }
0x2e: {  	s3 =	simm.s32 @!p0 $0x1082;
	s9 =	sld [smem:$0x3FAB]  }
0x2f: {  	lr =	sadd.s32 s0, s3;
	s0 =	sld [smem:$0x3FA2]  }
0x30: {  	s3 =	sld [smem:$0x3FA5]  }
0x31: {  	[smem:$0x3FAE] =	sst s10  }
0x32: {  	s10 =	sld [smem:$0x3FAC];
	_ =	sdelay $0x3  }
0x33: {  	p0 =	seq.s32 s10, $0x1;
	s10 =	sld [smem:$0x3FAE];
	_ =	sdelay $0x3  }
0x34: {  	[smem:$0x3FAE] =	sst s10  }
0x35: {  	s10 =	sld [smem:$0x3FAD];
	_ =	sdelay $0x3  }
0x36: {  	p1 =	seq.s32 s10, $0x1;
	s10 =	sld [smem:$0x3FAE];
	_ =	sdelay $0x3  }
0x37: {  	[smem:$0x3FAE] =	sst s10  }
0x38: {  	s10 =	sld [smem:$0x3FAF]  }
0x39: {  	_ = 	snop;
	(pc) =	sbr.ind lr, $3  }
0x3a: {  	_ = 	snop  }
0x3b: {  	_ = 	snop  }
0x3c: {  	p2 =	seq.s32 s10, $0x1;
	s10 =	sld [smem:$0x3FAE]  }
0x3d: {  	_ =	shalt  }
0x3e: {  	_ =	shalt  }
0x3f: {  	_ =	shalt  }
0x40: {  	_ =	shalt  }
0x41: {  	_ =	shalt  }
0x42: {  	_ =	shalt  }
0x43: {  	_ =	shalt  }
0x44: {  	_ =	shalt  }
0x45: {  	_ =	shalt  }
0x46: {  	_ =	shalt  }
0x47: {  	_ =	shalt  }
0x48: {  	_ =	shalt  }
0x49: {  	_ =	shalt  }
0x4a: {  	_ =	shalt  }
0x4b: {  	_ =	shalt  }
0x4c: {  	_ =	shalt  }
0x4d: {  	_ =	shalt  }
0x4e: {  	_ =	shalt  }
0x4f: {  	_ =	shalt  }
0x50: {  	_ =	shalt  }
0x51: {  	_ =	shalt  }
0x52: {  	_ =	shalt  }
0x53: {  	_ =	shalt  }
0x54: {  	_ =	shalt  }
0x55: {  	_ =	shalt  }
0x56: {  	_ =	shalt  }
0x57: {  	_ =	shalt  }
0x58: {  	_ =	shalt  }
0x59: {  	_ =	shalt  }
0x5a: {  	_ =	shalt  }
0x5b: {  	_ =	shalt  }
0x5c: {  	_ =	shalt  }
0x5d: {  	_ =	shalt  }
0x5e: {  	_ =	shalt  }
0x5f: {  	_ =	shalt  }
0x60: {  	_ =	shalt  }
0x61: {  	_ =	shalt  }
0x62: {  	_ =	shalt  }
0x63: {  	_ =	shalt  }
0x64: {  	_ =	shalt  }
0x65: {  	_ =	shalt  }
0x66: {  	_ =	shalt  }
0x67: {  	_ =	shalt  }
0x68: {  	_ =	shalt  }
0x69: {  	_ =	shalt  }
0x6a: {  	_ =	shalt  }
0x6b: {  	_ =	shalt  }
0x6c: {  	_ =	shalt  }
0x6d: {  	_ =	shalt  }
0x6e: {  	_ =	shalt  }
0x6f: {  	_ =	shalt  }
0x70: {  	_ =	shalt  }
0x71: {  	_ =	shalt  }
0x72: {  	_ =	shalt  }
0x73: {  	_ =	shalt  }
0x74: {  	_ =	shalt  }
0x75: {  	_ =	shalt  }
0x76: {  	_ =	shalt  }
0x77: {  	_ =	shalt  }
0x78: {  	_ =	shalt  }
0x79: {  	_ =	shalt  }
0x7a: {  	_ =	shalt  }
0x7b: {  	_ =	shalt  }
0x7c: {  	_ =	shalt  }
0x7d: {  	_ =	shalt  }
0x7e: {  	_ =	shalt  }
0x7f: {  	_ =	shalt  }
0x80: {  	_ =	shalt  }
0x81: {  	_ =	shalt  }
0x82: {  	_ =	shalt  }
0x83: {  	_ =	shalt  }
0x84: {  	_ =	shalt  }
0x85: {  	_ =	shalt  }
0x86: {  	_ =	shalt  }
0x87: {  	_ =	shalt  }
.Lfunc_end0:
.L_simem_size_0:
called_computation.3_lowered:
.L_overlay_start_0:
0x88: {  	s2 =	sld [smem:$0x3FD9]  }
0x89: {  	s3 =	sld [smem:$0x3FFE];
	_ =	sdelay $0x1  }
0x8a: {  	s1 =	srdreg.scid  }
0x8b: {  	s0 =	sand.u32 $0x1, s1  }
0x8c: {  	s16 =	sshll.u32 s0, $0xA;
	s2 =	sadd.s32 s3, s2  }
0x8d: {  	s2 =	sadd.s32 s2, s16  }
0x8e: {  	[smem:$0x3FBA] =	sst s2  }
0x8f: {  	_ = 	snop  }
0x90: {  	(tm) =	ssettm $0x1  }
0x91: {  	s17 =	sld [smem:$0x3FFB];
	_ =	sdelay $0x3  }
0x92: {  	_ =	strace s17  }
0x93: {  	s2 =	sld [smem:$0x3FFC];
	_ =	sdelay $0x3  }
0x94: {  	_ =	strace s2  }
0x95: {  	s2 =	sld [smem:$0x3FFD];
	_ =	sdelay $0x3  }
0x96: {  	_ =	strace s2  }
0x97: {  	_ =	strace $0x8FFFFFFF  }
0x98: {  	s18 =	sld [smem:$0x3FDB];
	_ =	sdelay $0x1  }
0x99: {  	s19 =	simm.s32 $_scs_section_size  }
0x9a: {  	s4 =	simm.s32 $_size__tile_overlayer_lowered;
	s5 =	simm.s32 $_tile_overlayer_lowered  }
0x9b: {  	s22 =	simm.s32 $0x1BFF;
	s21 =	sshll.u32 s5, $0x1;
	s2 =	sadd.s32 s19, s18  }
0x9c: {  	s6 =	simm.s32 $0x0;
	s20 =	sshll.u32 s4, $0x1;
	s4 =	sadd.s32 s21, s2  }
0x9d: {  	[timem:s6], [sflag:s22] =	dma.local [hbm:s4], s20  }
0x9e: {  	_ =	swait.ge [sflag:s22], s20  }
0x9f: {  	s3 =	ssub.s32 $0x0, s20;
	[sflag:s22] =	ssyncset.done $0x0  }
0xa0: {  	[sflag:s22] =	ssyncadd.s32 s3;
	_ =	sdelay $0x1  }
0xa1: {  	s23 =	simm.s32 $0x1B8B  }
0xa2: {  	_ =	swait.ge [sflag:s23], $0x1  }
0xa3: {  	[sflag:s23] =	ssyncset.done $0x0  }
0xa4: {  	s25 =	simm.s32 $0x1B8E;
	s24 =	sld [smem:$0x3FFE];
	[sflag:s23] =	ssyncadd.s32 $0xFFFFFFFF  }
0xa5: {  	s26 =	simm.s32 $execute0_lowered;
	[smem:$0x3FD2] =	sst s25  }
0xa6: {  	s4 =	sshll.u32 s26, $0x1;
	_ =	strace $0x8000004F;
	[dreg:$0x1] =	wrdreg $0xFFFFFFFF  }
0xa7: {  	s28 =	simm.s32 $_size_execute0_lowered;
	s2 =	sadd.s32 s2, s4;
	[dreg:$0x0] =	wrdreg $0x0  }
0xa8: {  	s4 =	sshll.u32 s28, $0x1;
	[dreg:$0x2] =	wrdreg s2  }
0xa9: {  	[dreg:$0x3] =	wrdreg s4  }
0xaa: {  	[dreg:$0x4] =	wrdreg $0xC0  }
0xab: {  	_ =	task [dreg:s6], $0x5FFFF  }
0xac: {  	[dreg:$0x1] =	wrdreg $0xFFFFFFFF  }
0xad: {  	[dreg:$0x0] =	wrdreg $0x60  }
0xae: {  	[dreg:$0x2] =	wrdreg s24  }
0xaf: {  	[dreg:$0x3] =	wrdreg $0x90000  }
0xb0: {  	[dreg:$0x4] =	wrdreg $0x9  }
0xb1: {  	_ =	task.clear_ibuf [dreg:s6], $0x5FFFF;
	_ =	strace $0x9000004F  }
0xb2: {  	s29 =	simm.s32 $0x9;
	_ =	strace $0x80000051  }
0xb3: {  	_ =	swait.ge [sflag:s29], $0x1  }
0xb4: {  	[sflag:s29] =	ssyncadd.s32 $0xFFFFFFFF  }
0xb5: {  	_ =	strace $0x90000051  }
0xb6: {  	_ =	sfence  }
0xb7: {  	s30 =	sld [smem:$0x0];
	_ =	sdelay $0x2  }
0xb8: {  	s31 =	sshll.u32 s1, $0xD;
	s1 =	sshrl.u32 s1, $0x2  }
0xb9: {  	s3 =	sand.u32 $0x4000, s31;
	s1 =	sadd.s32 s1, s30  }
0xba: {  	s0 =	sor.u32 s3, s0;
	s1 =	sshll.u32 s1, $0x11  }
0xbb: {  	s0 =	sor.u32 s1, s0  }
0xbc: {  	s0 =	sadd.s32 $0x8F2B, s0  }
0xbd: {  	[sflag:s0] =	ssyncadd.remote.s32 $0x1  }
0xbe: {  	_ =	sfence.sel $0xFFFF  }
0xbf: {  	[dreg:$0x0] =	wrdreg $0xFFFFFFFF;
	(pc) =	sbr.abs _section_cstart, $3  }
0xc0: {  	[dreg:$0x1] =	wrdreg $0xFFFFFFFF  }
0xc1: {  	_ =	task.clear_ibuf [dreg:s6], $0x2FFFF;
	_ =	strace $0x9FFFFFFF  }
0xc2: {  	(tm) =	ssettm $0x7FFFFFFF  }
0xc3: {  	_ =	shalt  }
tec
execute0_lowered:
.L_overlay_start_1:
0x0: {  	(tag) =	ssettag $0x1  }
0x1: {  	s1 =	srdreg.scid  }
0x2: {  	s0 =	stileid.u32;
	s6 =	rddreg [dreg:$0x0]  }
0x3: {  	s2 =	rddreg [dreg:$0x1];
	s3 =	simm.s32 $0x0;
	s14 =	simm.s32 $0x80  }
0x4: {  	s15 =	simm.s32 $0x5000;
	s16 =	simm.s32 $0x1;
	s17 =	simm.s32 $0x0  }
0x5: {  	s5 =	sand.u32 $0x1, s1;
	s29 =	sshll.u32 s0, $0x1;
	s9 =	smul.u32 $0x14000, s0  }
0x6: {  	[smem:$0x7FF] =	sst s3;
	s4 =	sadd.s32 $0x6000, s6;
	s11 =	smul.u32 $0x50000, s0  }
0x7: {  	s12 =	sshll.u32 s0, $0x6;
	s1 =	sor.u32 s5, s29;
	s8 =	smul.u32 $0x140000, s5  }
0x8: {  	s30 =	ssub.s32 $0x2, s5;
	s5 =	sadd.s32 $0x68400, s6;
	s12 =	sor.u32 $0x1C02, s12  }
0x9: {  	s7 =	smul.u32 $0x500, s1;
	s1 =	rddreg [dreg:$0x2];
	_ =	strace $0x80000050  }
0xa: {  	s10 =	sshrl.u32 s30, $0x1;
	s31 =	sshrl.u32 s11, $0x2;
	s11 =	simm.s32 $0x2800  }
0xb: {  	s8 =	sadd.s32 s9, s8;
	s9 =	ssub.s32 s30, s10;
	s13 =	sadd.s32 s31, s2  }
0xc: {  	s10 =	simm.s32 $0x2;
	s7 =	sadd.s32 s7, s6;
	s8 =	sshrl.u32 s8, $0x3  }
0xd: {  	s9 =	smax.u32 s9, $0x1;
	s13 =	sshrl.u32 s13, $0x3;
	s8 =	sadd.s32 s8, s6  }
0xe: {  	s6 =	sadd.s32 $0x54400, s7;
	s7 =	sadd.s32 $0x5E400, s7;
	s8 =	sadd.s32 $0xBAC00, s8  }
.LBB2_1:
0xf: {  	[tilespmem:s3], [sflag:$0x2] =	stream.linear.gather [hbm4b:s6+s3], $0x2800, $0x38;
	[tilespmem:$0x1D000] =	vst v63  }
0x10: {  	_ =	swait.ge [sflag:s10], $0x2800  }
0x11: {  	[sflag:s10] =	ssyncset.done $0x0  }
0x12: {  	[sflag:s10] =	ssyncadd.s32 $0xFFFFD800  }
0x13: {  	[tilespmem:s11], [sflag:$0x2] =	stream.linear.gather [hbm4b:s7+s3], $0x2800, $0x38;
	[tilespmem:$0x1D000] =	vst v63  }
0x14: {  	_ =	swait.ge [sflag:s10], $0x2800  }
0x15: {  	[sflag:s10] =	ssyncset.done $0x0  }
0x16: {  	[sflag:s10] =	ssyncadd.s32 $0xFFFFD800  }
0x17: {  	[spmem:s13], [sflag:s12] =	dma.local [hbm:s5], $0x2800  }
0x18: {  	_ =	swait.ge [sflag:s10], $0x2800  }
0x19: {  	[sflag:s10] =	ssyncset.done $0x0  }
0x1a: {  	[sflag:s10] =	ssyncadd.s32 $0xFFFFD800  }
0x1b: {  	s18 =	simm.s32 $0x0;
	[bflag:$0x0] =	sbarrier.arrive $0xFFFF  }
0x1c: {  	[tilespmem:s15], [sflag:$0x1] =	stream.indirect.gather [hbm4b:s4+s14], $0x80, s18, s14, $0xb8;
	[tilespmem:$0x1D000] =	vst v63  }
0x1d: {  	_ =	swait.ge [sflag:s16], $0x4000  }
0x1e: {  	[sflag:s16] =	ssyncset.done $0x0  }
0x1f: {  	s31 =	simm.s32 $0x2800;
	[sflag:s16] =	ssyncadd.s32 $0xFFFFC000  }
0x20: {  	[spmem:s2] =	stream.indirect.scatter.add.f32 [tilespmem:s15], [sflag:$0x2], $0x80, s31, s14, $0xb8;
	[tilespmem:$0x1D000] =	vst v63  }
0x21: {  	_ =	swait.ge [sflag:s10], $0x4000  }
0x22: {  	s19 =	simm.s32 $0x400;
	s18 =	simm.s32 $0x200;
	[sflag:s10] =	ssyncset.done $0x0  }
.LBB2_2:
0x23: {  	s20 =	sshra.s32 s18, $0x2  }
0x24: {  	[sflag:s10] =	ssyncadd.s32 $0xFFFFC000;
	s18 =	smov.u32 s19;
	s21 =	sadd.s32 $0x200, s19  }
0x25: {  	[tilespmem:s15], [sflag:$0x1] =	stream.indirect.gather [hbm4b:s4+s14], $0x80, s20, s14, $0xb8;
	[tilespmem:$0x1D000] =	vst v63  }
0x26: {  	p0 =	sne.s32 s19, $0x9E00;
	_ =	swait.ge [sflag:s16], $0x4000  }
.Ltmp0:
0x27: {  	[sflag:s16] =	ssyncset.done $0x0;
	(pc) =	sbr.rel @p0 .LBB2_2-.Ltmp0, $4  }
0x28: {  	s19 =	sadd.s32 $0x2800, s20;
	[sflag:s16] =	ssyncadd.s32 $0xFFFFC000  }
0x29: {  	[spmem:s2] =	stream.indirect.scatter.add.f32 [tilespmem:s15], [sflag:$0x2], $0x80, s19, s14, $0xb8;
	[tilespmem:$0x1D000] =	vst v63  }
0x2a: {  	_ =	swait.ge [sflag:s10], $0x4000  }
0x2b: {  	s19 =	smov.u32 s21;
	[sflag:s10] =	ssyncset.done $0x0  }
0x2c: {  	s18 =	sshra.s32 s18, $0x2;
	[sflag:s10] =	ssyncadd.s32 $0xFFFFC000  }
0x2d: {  	[tilespmem:s15], [sflag:$0x1] =	stream.indirect.gather [hbm4b:s4+s14], $0x80, s18, s14, $0xb8;
	[tilespmem:$0x1D000] =	vst v63  }
0x2e: {  	_ =	swait.ge [sflag:s16], $0x4000  }
0x2f: {  	[sflag:s16] =	ssyncset.done $0x0  }
0x30: {  	s18 =	sadd.s32 $0x2800, s18;
	[sflag:s16] =	ssyncadd.s32 $0xFFFFC000  }
0x31: {  	[spmem:s2] =	stream.indirect.scatter.add.f32 [tilespmem:s15], [sflag:$0x2], $0x80, s18, s14, $0xb8;
	[tilespmem:$0x1D000] =	vst v63  }
0x32: {  	_ =	swait.ge [sflag:s10], $0x4000  }
0x33: {  	s17 =	sadd.s32 $0x1, s17;
	[sflag:s10] =	ssyncset.done $0x0  }
0x34: {  	p0 =	sne.s32 s17, s9;
	[sflag:s10] =	ssyncadd.s32 $0xFFFFC000  }
.Ltmp1:
0x35: {  	[bflag:$0x0] =	sbarrier.arrive $0xFFFF;
	(pc) =	sbr.rel @p0 .LBB2_1-.Ltmp1, $4  }
0x36: {  	[hbm:s8], [sflag:s12] =	dma.local [spmem:s13], $0x2800  }
0x37: {  	_ =	swait.ge [sflag:s10], $0x2800  }
0x38: {  	[sflag:s10] =	ssyncset.done $0x0  }
0x39: {  	[sflag:s10] =	ssyncadd.s32 $0xFFFFD800  }
0x3a: {  	_ =	sfence.sel $0x180000  }
0x3b: {  	[bflag:$0x0] =	sbarrier.arrive $0xFFFF  }
0x3c: {  	p0 =	sne.s32 s0, $0x0;
	_ =	strace $0x90000050  }
0x3d: {  	s0 =	sadd.s32 @!p0 $0x100000, s1;
	[bflag:$0x2] =	sbarrier.arrive $0xFFFF  }
0x3e: {  	[sflag:s0] =	ssyncadd.tile.s32 @!p0 $0x1;
	_ =	shalt  }
.Lfunc_end2:
_tile_overlayer_lowered:
.L_overlay_start_2:
0x3f: {  	(tag) =	ssettag $0x2  }
0x40: {  	s0 =	rddreg [dreg:$0x0];
	s2 =	stileid.u32  }
0x41: {  	s1 =	rddreg [dreg:$0x1];
	p0 =	sne.s32 s2, $0x0  }
0x42: {  	s3 =	rddreg [dreg:$0x2];
	[bflag:$0x3] =	sbarrier.arrive $0xFFFF;
	s2 =	simm.s32 @!p0 $0x1C02  }
0x43: {  	[timem:s3], [sflag:s2] =	dma.local @!p0 [hbm:s0], s1  }
0x44: {  	s0 =	simm.s32 @!p0 $0x2  }
0x45: {  	_ =	swait.ge @!p0 [sflag:s0], s1  }
0x46: {  	s1 =	ssub.s32 @!p0 $0x0, s1;
	[sflag:s0] =	ssyncset.done @!p0 $0x0  }
0x47: {  	[sflag:s0] =	ssyncadd.s32 @!p0 s1  }
0x48: {  	[bflag:$0x3] =	sbarrier.arrive $0xFFFF  }
0x49: {  	_ =	shalt  }

</sc_bundles>
